<compile_context>
chip_gen: v7x
topology: tpu7x:2x2x1
jax: 0.10.2.dev20260603
libtpu: 0.0.44.dev20260713+nightly
codegen_flags: <defaults>
</compile_context>

<pallas_src>
import functools

import jax
import jax.numpy as jnp
from jax import lax
from jax.experimental import pallas as pl
from jax.experimental.pallas import tpu as pltpu
from jax.experimental.pallas import tpu_sc as plsc

_BH = 64
_BC = 8


def _lse_block(logits_ref, targets_ref, lse_sum_ref, count_ref):
    step = pl.program_id(0) * pl.num_programs(1) + pl.program_id(1)

    @pl.when(step == 0)
    def _init():
        lse_sum_ref[0, 0] = 0.0
        count_ref[0, 0] = 0.0

    W = logits_ref.shape[3]
    lse_acc = jnp.zeros((_BC, W), jnp.float32)
    cnt_acc = jnp.zeros((_BC, W), jnp.float32)
    for k in range(_BH // _BC):
        x = logits_ref[0, :, pl.ds(k * _BC, _BC), :]
        t = targets_ref[0, pl.ds(k * _BC, _BC), :]

        vf = (t != -1).astype(jnp.float32)
        m = jnp.max(x, axis=0)
        e = jnp.sum(jnp.exp(x - m[None]), axis=0)
        lse_acc += (m + jnp.log(e)) * vf
        cnt_acc += vf

    lse_sum_ref[0, 0] += jnp.sum(lse_acc)
    count_ref[0, 0] += jnp.sum(cnt_acc)


def _make_sc_gather(N, C, HW, L, NW):
    n_per_w = N // NW
    n_iters = n_per_w // L
    mesh = plsc.VectorSubcoreMesh(core_axis_name="c", subcore_axis_name="s")

    @functools.partial(
        pl.kernel, mesh=mesh,
        out_type=jax.ShapeDtypeStruct((NW, L), jnp.float32),
        scratch_types=[
            pltpu.VMEM((n_per_w,), jnp.int32),
            pltpu.VMEM((n_per_w,), jnp.int32),
            pltpu.VMEM((n_per_w,), jnp.float32),
            pltpu.VMEM((L,), jnp.float32),
            pltpu.SemaphoreType.DMA,
        ],
    )
    def sc_gather(logits_hbm, targets_hbm, out_hbm, t_v, idx_v, g_v, acc_v,
                  sem):
        wid = lax.axis_index("s") * 2 + lax.axis_index("c")
        base = wid * n_per_w
        b = base // HW
        off = base + b * (C - 1) * HW
        lane = lax.broadcasted_iota(jnp.int32, (L,), 0)

        pltpu.sync_copy(targets_hbm.at[pl.ds(base, n_per_w)], t_v)

        def idx_body(i, carry):
            tv = t_v[pl.ds(i * L, L)]
            tsafe = jnp.maximum(tv, 0)
            idx_v[pl.ds(i * L, L)] = tsafe * HW + (lane + (off + i * L))
            return carry

        lax.fori_loop(0, n_iters, idx_body, 0, unroll=4)

        pltpu.async_copy(logits_hbm.at[idx_v], g_v, sem).wait()

        def sum_body(i, acc):
            tv = t_v[pl.ds(i * L, L)]
            g = g_v[pl.ds(i * L, L)]
            return acc + jnp.where(tv != -1, g, 0.0)

        acc = lax.fori_loop(0, n_iters, sum_body,
                            jnp.zeros((L,), jnp.float32), unroll=4)
        acc_v[...] = acc
        pltpu.sync_copy(acc_v, out_hbm.at[wid])

    return sc_gather


@jax.jit
def kernel(logits, targets):
    B, C, H, W = logits.shape
    N = B * H * W
    info = plsc.get_sparse_core_info()
    NW = info.num_cores * info.num_subcores
    L = info.num_lanes

    grid = (B, H // _BH)
    lse_sum, count = pl.pallas_call(
        _lse_block,
        grid=grid,
        in_specs=[
            pl.BlockSpec((1, C, _BH, W), lambda b, j: (b, 0, j, 0)),
            pl.BlockSpec((1, _BH, W), lambda b, j: (b, j, 0)),
        ],
        out_specs=[
            pl.BlockSpec(memory_space=pltpu.SMEM, block_shape=(1, 1),
                         index_map=lambda b, j: (0, 0)),
            pl.BlockSpec(memory_space=pltpu.SMEM, block_shape=(1, 1),
                         index_map=lambda b, j: (0, 0)),
        ],
        out_shape=[
            jax.ShapeDtypeStruct((1, 1), jnp.float32),
            jax.ShapeDtypeStruct((1, 1), jnp.float32),
        ],
    )(logits, targets)

    picked_parts = _make_sc_gather(N, C, H * W, L, NW)(
        logits.reshape(-1), targets.reshape(-1))

    count = count[0, 0]
    nll_sum = lse_sum[0, 0] - jnp.sum(picked_parts)
    loss = nll_sum / jnp.maximum(count, 1.0)
    return jnp.where(count == 0.0, jnp.float32(0.0), loss)

# --- scband reference (transcript-rebuilt; emitter-appended) ---
"""Pipeline reference for scband-partial-cross-entropy-loss-46042049413286 (READ-ONLY COPY).

The authoritative reference and input builder live on the scoring server;
editing this copy changes nothing except your own understanding.
"""

import jax, jax.numpy as jnp
import numpy as np


def setup_inputs(seed: int = 0) -> dict:
    key = jax.random.key(seed)
    k1, k2 = jax.random.split(key)
    logits = jax.random.normal(k1, (4, 96, 512, 512), dtype=jnp.float32)
    targets = jax.random.randint(k2, (4, 512, 512), 0, 96, dtype=jnp.int32)
    return {"logits": logits, "targets": targets}


def reference(logits, targets):
    ignore_index = -1
    valid_mask = targets != ignore_index
    num_valid = valid_mask.sum()
    B, C, H, W = logits.shape
    logits_flat = jnp.transpose(logits, (0, 2, 3, 1)).reshape(-1, C)
    targets_flat = targets.reshape(-1)
    valid_flat = valid_mask.reshape(-1)
    # log_softmax row-wise is identical whether computed on the valid subset
    # or on all rows; mask out invalid rows afterwards (equivalent math).
    log_softmax = jax.nn.log_softmax(logits_flat, axis=1)
    targets_safe = jnp.where(valid_flat, targets_flat, 0)
    nll = -jnp.take_along_axis(log_softmax, targets_safe[:, None], axis=1)[:, 0]
    nll = nll * valid_flat.astype(nll.dtype)
    # reduction='mean' over valid pixels only
    loss = jnp.sum(nll) / jnp.maximum(num_valid, 1).astype(nll.dtype)
    loss = jnp.where(num_valid == 0, jnp.array(0.0, dtype=nll.dtype), loss)
    return loss

if __name__ == "__main__":
    import jax
    _d = setup_inputs()
    print(jax.jit(kernel)(*tuple(_d.values())))

</pallas_src>

<mosaic_0001>
#map = affine_map<(d0, d1) -> (0)>
#map1 = affine_map<(d0, d1) -> (0, 0)>
module attributes {stable_mosaic.version = 14 : i64} {
  func.func @sc_gather(%arg0: i32, %arg1: i32, %arg2: memref<100663296xf32, #tpu.memory_space<hbm>>, %arg3: memref<1048576xi32, #tpu.memory_space<hbm>>, %arg4: memref<32x16xf32, #tpu.memory_space<hbm>>, %arg5: memref<32768xi32, #tpu.memory_space<vmem>>, %arg6: memref<32768xi32, #tpu.memory_space<vmem>>, %arg7: memref<32768xf32, #tpu.memory_space<vmem>>, %arg8: memref<16xf32, #tpu.memory_space<vmem>>, %arg9: memref<!tpu.dma_semaphore, #tpu.memory_space<semaphore_mem>>) attributes {dimension_semantics = [#tpu.dimension_semantics<core_parallel>, #tpu.dimension_semantics<subcore_parallel>], iteration_bounds = array<i64: 2, 16>, scalar_prefetch = 0 : i64, scratch_operands = 5 : i64, tpu.core_type = #tpu.core_type<sc_vector_subcore>, window_params = [{transform_indices = #map}, {transform_indices = #map}, {transform_indices = #map1}]} {
    %mul3A = arith.constant 2 : i32
    %mul3A_0 = arith.muli %arg1, %mul3A : i32
    %add3A = arith.addi %mul3A_0, %arg0 : i32
    %mul3A_1 = arith.constant 32768 : i32
    %mul3A_2 = arith.muli %add3A, %mul3A_1 : i32
    %jit3A = arith.constant 262144 : i32
    %div3A = arith.divsi %mul3A_2, %jit3A : i32
    %sign3A = arith.constant 0 : i32
    %sign3A_3 = arith.cmpi sgt, %mul3A_2, %sign3A : i32
    %sign3A_4 = arith.extui %sign3A_3 : i1 to i32
    %sign3A_5 = arith.constant 0 : i32
    %sign3A_6 = arith.cmpi slt, %mul3A_2, %sign3A_5 : i32
    %sign3A_7 = arith.extui %sign3A_6 : i1 to i32
    %sign3A_8 = arith.subi %sign3A_4, %sign3A_7 : i32
    %sign3A_9 = arith.constant 0 : i32
    %sign3A_10 = arith.cmpi sgt, %jit3A, %sign3A_9 : i32
    %sign3A_11 = arith.extui %sign3A_10 : i1 to i32
    %sign3A_12 = arith.constant 0 : i32
    %sign3A_13 = arith.cmpi slt, %jit3A, %sign3A_12 : i32
    %sign3A_14 = arith.extui %sign3A_13 : i1 to i32
    %sign3A_15 = arith.subi %sign3A_11, %sign3A_14 : i32
    %ne3A = arith.cmpi ne, %sign3A_8, %sign3A_15 : i32
    %rem3A = arith.remsi %mul3A_2, %jit3A : i32
    %ne3A_16 = arith.constant 0 : i32
    %ne3A_17 = arith.cmpi ne, %rem3A, %ne3A_16 : i32
    %and3A = arith.andi %ne3A, %ne3A_17 : i1
    %sub3A = arith.constant 1 : i32
    %sub3A_18 = arith.subi %div3A, %sub3A : i32
    %select_n3A = arith.select %and3A, %sub3A_18, %div3A : i32
    %mul3A_19 = arith.constant 95 : i32
    %mul3A_20 = arith.muli %select_n3A, %mul3A_19 : i32
    %mul3A_21 = arith.constant 262144 : i32
    %mul3A_22 = arith.muli %mul3A_20, %mul3A_21 : i32
    %add3A_23 = arith.addi %mul3A_2, %mul3A_22 : i32
    %iota3A = tpu.iota {dimensions = array<i32: 0>} : vector<16xi32>
    "tpu.region"() ({
      %run_scoped3A = tpu.sem_alloc : memref<!tpu.dma_semaphore, #tpu.memory_space<semaphore_mem>>
      %dma_start3A_41 = tpu.memref_slice %arg3[%mul3A_2] : memref<1048576xi32, #tpu.memory_space<hbm>> -> memref<32768xi32, #tpu.memory_space<hbm>>
      %dma_start3A_42 = tpu.memref_slice %arg3[%mul3A_2] : memref<1048576xi32, #tpu.memory_space<hbm>> -> memref<32768xi32, #tpu.memory_space<hbm>>
      tpu.enqueue_dma source(%dma_start3A_42 : memref<32768xi32, #tpu.memory_space<hbm>>) target(%arg5 : memref<32768xi32, #tpu.memory_space<vmem>>) target_semaphore(%run_scoped3A : memref<!tpu.dma_semaphore, #tpu.memory_space<semaphore_mem>>)
      %dma_wait3A_43 = tpu.memref_slice %arg3[%mul3A_2] : memref<1048576xi32, #tpu.memory_space<hbm>> -> memref<32768xi32, #tpu.memory_space<hbm>>
      %dma_wait3A_44 = tpu.memref_slice %arg3[%mul3A_2] : memref<1048576xi32, #tpu.memory_space<hbm>> -> memref<32768xi32, #tpu.memory_space<hbm>>
      tpu.wait_dma2 semaphore(%run_scoped3A : memref<!tpu.dma_semaphore, #tpu.memory_space<semaphore_mem>>) src(%dma_wait3A_44 : memref<32768xi32, #tpu.memory_space<hbm>>) dst(%arg5 : memref<32768xi32, #tpu.memory_space<vmem>>)
      tpu.yield
    }) : () -> ()
    %scan3A = arith.constant 0 : i32
    %scan3A_24 = arith.constant 0 : i32
    %scan3A_25 = arith.constant 2048 : i32
    %scan3A_26 = arith.addi %scan3A_24, %scan3A_25 : i32
    %scan3A_27 = arith.constant 4 : i32
    scf.for %scan3A_41 = %scan3A_24 to %scan3A_26 step %scan3A_27  : i32 {
      %mul3A_42 = arith.constant 16 : i32
      %mul3A_43 = arith.muli %scan3A_41, %mul3A_42 : i32
      %get3A = arith.index_cast %mul3A_43 : i32 to index
      %get3A_44 = tpu.vector_load %arg5[%get3A] {strides = array<i32>} : memref<32768xi32, #tpu.memory_space<vmem>>, vector<16xi32>,
      %get3A_45 = vector.shape_cast %get3A_44 : vector<16xi32> to vector<16xi32>
      %max3A = arith.constant 0 : i32
      %max3A_46 = vector.broadcast %max3A : i32 to vector<16xi32>
      %max3A_47 = arith.maxsi %get3A_45, %max3A_46 : vector<16xi32>
      %mul3A_48 = arith.constant 262144 : i32
      %mul3A_49 = vector.broadcast %mul3A_48 : i32 to vector<16xi32>
      %mul3A_50 = arith.muli %max3A_47, %mul3A_49 : vector<16xi32>
      %mul3A_51 = arith.constant 16 : i32
      %mul3A_52 = arith.muli %scan3A_41, %mul3A_51 : i32
      %add3A_53 = arith.addi %add3A_23, %mul3A_52 : i32
      %add3A_54 = vector.broadcast %add3A_53 : i32 to vector<16xi32>
      %add3A_55 = arith.addi %iota3A, %add3A_54 : vector<16xi32>
      %add3A_56 = arith.addi %mul3A_50, %add3A_55 : vector<16xi32>
      %mul3A_57 = arith.constant 16 : i32
      %mul3A_58 = arith.muli %scan3A_41, %mul3A_57 : i32
      %swap3A_59 = arith.index_cast %mul3A_58 : i32 to index
      %swap3A_60 = tpu.vector_load %arg6[%swap3A_59] {strides = array<i32>} : memref<32768xi32, #tpu.memory_space<vmem>>, vector<16xi32>,
      %swap3A_61 = vector.shape_cast %swap3A_60 : vector<16xi32> to vector<16xi32>
      %swap3A_62 = vector.shape_cast %add3A_56 : vector<16xi32> to vector<16xi32>
      tpu.vector_store %arg6[%swap3A_59], %swap3A_62 {strides = array<i32>} : memref<32768xi32, #tpu.memory_space<vmem>>, vector<16xi32>,
      %scan3A_63 = arith.constant 1 : i32
      %scan3A_64 = arith.addi %scan3A_41, %scan3A_63 : i32
      %mul3A_65 = arith.constant 16 : i32
      %mul3A_66 = arith.muli %scan3A_64, %mul3A_65 : i32
      %get3A_67 = arith.index_cast %mul3A_66 : i32 to index
      %get3A_68 = tpu.vector_load %arg5[%get3A_67] {strides = array<i32>} : memref<32768xi32, #tpu.memory_space<vmem>>, vector<16xi32>,
      %get3A_69 = vector.shape_cast %get3A_68 : vector<16xi32> to vector<16xi32>
      %max3A_70 = arith.constant 0 : i32
      %max3A_71 = vector.broadcast %max3A_70 : i32 to vector<16xi32>
      %max3A_72 = arith.maxsi %get3A_69, %max3A_71 : vector<16xi32>
      %mul3A_73 = arith.constant 262144 : i32
      %mul3A_74 = vector.broadcast %mul3A_73 : i32 to vector<16xi32>
      %mul3A_75 = arith.muli %max3A_72, %mul3A_74 : vector<16xi32>
      %mul3A_76 = arith.constant 16 : i32
      %mul3A_77 = arith.muli %scan3A_64, %mul3A_76 : i32
      %add3A_78 = arith.addi %add3A_23, %mul3A_77 : i32
      %add3A_79 = vector.broadcast %add3A_78 : i32 to vector<16xi32>
      %add3A_80 = arith.addi %iota3A, %add3A_79 : vector<16xi32>
      %add3A_81 = arith.addi %mul3A_75, %add3A_80 : vector<16xi32>
      %mul3A_82 = arith.constant 16 : i32
      %mul3A_83 = arith.muli %scan3A_64, %mul3A_82 : i32
      %swap3A_84 = arith.index_cast %mul3A_83 : i32 to index
      %swap3A_85 = tpu.vector_load %arg6[%swap3A_84] {strides = array<i32>} : memref<32768xi32, #tpu.memory_space<vmem>>, vector<16xi32>,
      %swap3A_86 = vector.shape_cast %swap3A_85 : vector<16xi32> to vector<16xi32>
      %swap3A_87 = vector.shape_cast %add3A_81 : vector<16xi32> to vector<16xi32>
      tpu.vector_store %arg6[%swap3A_84], %swap3A_87 {strides = array<i32>} : memref<32768xi32, #tpu.memory_space<vmem>>, vector<16xi32>,
      %scan3A_88 = arith.constant 2 : i32
      %scan3A_89 = arith.addi %scan3A_41, %scan3A_88 : i32
      %mul3A_90 = arith.constant 16 : i32
      %mul3A_91 = arith.muli %scan3A_89, %mul3A_90 : i32
      %get3A_92 = arith.index_cast %mul3A_91 : i32 to index
      %get3A_93 = tpu.vector_load %arg5[%get3A_92] {strides = array<i32>} : memref<32768xi32, #tpu.memory_space<vmem>>, vector<16xi32>,
      %get3A_94 = vector.shape_cast %get3A_93 : vector<16xi32> to vector<16xi32>
      %max3A_95 = arith.constant 0 : i32
      %max3A_96 = vector.broadcast %max3A_95 : i32 to vector<16xi32>
      %max3A_97 = arith.maxsi %get3A_94, %max3A_96 : vector<16xi32>
      %mul3A_98 = arith.constant 262144 : i32
      %mul3A_99 = vector.broadcast %mul3A_98 : i32 to vector<16xi32>
      %mul3A_100 = arith.muli %max3A_97, %mul3A_99 : vector<16xi32>
      %mul3A_101 = arith.constant 16 : i32
      %mul3A_102 = arith.muli %scan3A_89, %mul3A_101 : i32
      %add3A_103 = arith.addi %add3A_23, %mul3A_102 : i32
      %add3A_104 = vector.broadcast %add3A_103 : i32 to vector<16xi32>
      %add3A_105 = arith.addi %iota3A, %add3A_104 : vector<16xi32>
      %add3A_106 = arith.addi %mul3A_100, %add3A_105 : vector<16xi32>
      %mul3A_107 = arith.constant 16 : i32
      %mul3A_108 = arith.muli %scan3A_89, %mul3A_107 : i32
      %swap3A_109 = arith.index_cast %mul3A_108 : i32 to index
      %swap3A_110 = tpu.vector_load %arg6[%swap3A_109] {strides = array<i32>} : memref<32768xi32, #tpu.memory_space<vmem>>, vector<16xi32>,
      %swap3A_111 = vector.shape_cast %swap3A_110 : vector<16xi32> to vector<16xi32>
      %swap3A_112 = vector.shape_cast %add3A_106 : vector<16xi32> to vector<16xi32>
      tpu.vector_store %arg6[%swap3A_109], %swap3A_112 {strides = array<i32>} : memref<32768xi32, #tpu.memory_space<vmem>>, vector<16xi32>,
      %scan3A_113 = arith.constant 3 : i32
      %scan3A_114 = arith.addi %scan3A_41, %scan3A_113 : i32
      %mul3A_115 = arith.constant 16 : i32
      %mul3A_116 = arith.muli %scan3A_114, %mul3A_115 : i32
      %get3A_117 = arith.index_cast %mul3A_116 : i32 to index
      %get3A_118 = tpu.vector_load %arg5[%get3A_117] {strides = array<i32>} : memref<32768xi32, #tpu.memory_space<vmem>>, vector<16xi32>,
      %get3A_119 = vector.shape_cast %get3A_118 : vector<16xi32> to vector<16xi32>
      %max3A_120 = arith.constant 0 : i32
      %max3A_121 = vector.broadcast %max3A_120 : i32 to vector<16xi32>
      %max3A_122 = arith.maxsi %get3A_119, %max3A_121 : vector<16xi32>
      %mul3A_123 = arith.constant 262144 : i32
      %mul3A_124 = vector.broadcast %mul3A_123 : i32 to vector<16xi32>
      %mul3A_125 = arith.muli %max3A_122, %mul3A_124 : vector<16xi32>
      %mul3A_126 = arith.constant 16 : i32
      %mul3A_127 = arith.muli %scan3A_114, %mul3A_126 : i32
      %add3A_128 = arith.addi %add3A_23, %mul3A_127 : i32
      %add3A_129 = vector.broadcast %add3A_128 : i32 to vector<16xi32>
      %add3A_130 = arith.addi %iota3A, %add3A_129 : vector<16xi32>
      %add3A_131 = arith.addi %mul3A_125, %add3A_130 : vector<16xi32>
      %mul3A_132 = arith.constant 16 : i32
      %mul3A_133 = arith.muli %scan3A_114, %mul3A_132 : i32
      %swap3A_134 = arith.index_cast %mul3A_133 : i32 to index
      %swap3A_135 = tpu.vector_load %arg6[%swap3A_134] {strides = array<i32>} : memref<32768xi32, #tpu.memory_space<vmem>>, vector<16xi32>,
      %swap3A_136 = vector.shape_cast %swap3A_135 : vector<16xi32> to vector<16xi32>
      %swap3A_137 = vector.shape_cast %add3A_131 : vector<16xi32> to vector<16xi32>
      tpu.vector_store %arg6[%swap3A_134], %swap3A_137 {strides = array<i32>} : memref<32768xi32, #tpu.memory_space<vmem>>, vector<16xi32>,
    }
    %scan3A_28 = arith.constant 2048 : i32
    %dma_start3A = arith.constant 0 : i32
    %dma_start3A_29 = tpu.memref_slice %arg2[%dma_start3A] : memref<100663296xf32, #tpu.memory_space<hbm>> -> memref<100663296xf32, #tpu.memory_space<hbm>>
    tpu.enqueue_indirect_dma source(%dma_start3A_29 : memref<100663296xf32, #tpu.memory_space<hbm>>) target(%arg7 : memref<32768xf32, #tpu.memory_space<vmem>>) offsets(%arg6 : memref<32768xi32, #tpu.memory_space<vmem>>) semaphore(%arg9 : memref<!tpu.dma_semaphore, #tpu.memory_space<semaphore_mem>>)
    %dma_wait3A = arith.constant 0 : i32
    %dma_wait3A_30 = tpu.memref_slice %arg2[%dma_wait3A] : memref<100663296xf32, #tpu.memory_space<hbm>> -> memref<100663296xf32, #tpu.memory_space<hbm>>
    tpu.wait_indirect_dma semaphore(%arg9 : memref<!tpu.dma_semaphore, #tpu.memory_space<semaphore_mem>>) src(%dma_wait3A_30 : memref<100663296xf32, #tpu.memory_space<hbm>>) dst(%arg7 : memref<32768xf32, #tpu.memory_space<vmem>>)
    %broadcast_in_dim3A = arith.constant 0.000000e+00 : f32
    %broadcast_in_dim3A_31 = vector.broadcast %broadcast_in_dim3A : f32 to vector<16xf32>
    %scan3A_32 = arith.constant 0 : i32
    %scan3A_33 = arith.constant 2048 : i32
    %scan3A_34 = arith.addi %scan3A_32, %scan3A_33 : i32
    %scan3A_35 = arith.constant 4 : i32
    %scan3A_36 = scf.for %scan3A_41 = %scan3A_32 to %scan3A_34 step %scan3A_35 iter_args(%scan3A_42 = %broadcast_in_dim3A_31) -> (vector<16xf32>)  : i32 {
      %mul3A_43 = arith.constant 16 : i32
      %mul3A_44 = arith.muli %scan3A_41, %mul3A_43 : i32
      %get3A = arith.index_cast %mul3A_44 : i32 to index
      %get3A_45 = tpu.vector_load %arg5[%get3A] {strides = array<i32>} : memref<32768xi32, #tpu.memory_space<vmem>>, vector<16xi32>,
      %get3A_46 = vector.shape_cast %get3A_45 : vector<16xi32> to vector<16xi32>
      %mul3A_47 = arith.constant 16 : i32
      %mul3A_48 = arith.muli %scan3A_41, %mul3A_47 : i32
      %get3A_49 = arith.index_cast %mul3A_48 : i32 to index
      %get3A_50 = tpu.vector_load %arg7[%get3A_49] {strides = array<i32>} : memref<32768xf32, #tpu.memory_space<vmem>>, vector<16xf32>,
      %get3A_51 = vector.shape_cast %get3A_50 : vector<16xf32> to vector<16xf32>
      %ne3A_52 = arith.constant -1 : i32
      %ne3A_53 = vector.broadcast %ne3A_52 : i32 to vector<16xi32>
      %ne3A_54 = arith.cmpi ne, %get3A_46, %ne3A_53 : vector<16xi32>
      %jit3A_55 = arith.constant 0.000000e+00 : f32
      %broadcast_in_dim3A_56 = vector.broadcast %jit3A_55 : f32 to vector<16xf32>
      %select_n3A_57 = arith.select %ne3A_54, %get3A_51, %broadcast_in_dim3A_56 : vector<16xi1>, vector<16xf32>
      %add3A_58 = arith.addf %scan3A_42, %select_n3A_57 : vector<16xf32>
      %scan3A_59 = arith.constant 1 : i32
      %scan3A_60 = arith.addi %scan3A_41, %scan3A_59 : i32
      %mul3A_61 = arith.constant 16 : i32
      %mul3A_62 = arith.muli %scan3A_60, %mul3A_61 : i32
      %get3A_63 = arith.index_cast %mul3A_62 : i32 to index
      %get3A_64 = tpu.vector_load %arg5[%get3A_63] {strides = array<i32>} : memref<32768xi32, #tpu.memory_space<vmem>>, vector<16xi32>,
      %get3A_65 = vector.shape_cast %get3A_64 : vector<16xi32> to vector<16xi32>
      %mul3A_66 = arith.constant 16 : i32
      %mul3A_67 = arith.muli %scan3A_60, %mul3A_66 : i32
      %get3A_68 = arith.index_cast %mul3A_67 : i32 to index
      %get3A_69 = tpu.vector_load %arg7[%get3A_68] {strides = array<i32>} : memref<32768xf32, #tpu.memory_space<vmem>>, vector<16xf32>,
      %get3A_70 = vector.shape_cast %get3A_69 : vector<16xf32> to vector<16xf32>
      %ne3A_71 = arith.constant -1 : i32
      %ne3A_72 = vector.broadcast %ne3A_71 : i32 to vector<16xi32>
      %ne3A_73 = arith.cmpi ne, %get3A_65, %ne3A_72 : vector<16xi32>
      %jit3A_74 = arith.constant 0.000000e+00 : f32
      %broadcast_in_dim3A_75 = vector.broadcast %jit3A_74 : f32 to vector<16xf32>
      %select_n3A_76 = arith.select %ne3A_73, %get3A_70, %broadcast_in_dim3A_75 : vector<16xi1>, vector<16xf32>
      %add3A_77 = arith.addf %add3A_58, %select_n3A_76 : vector<16xf32>
      %scan3A_78 = arith.constant 2 : i32
      %scan3A_79 = arith.addi %scan3A_41, %scan3A_78 : i32
      %mul3A_80 = arith.constant 16 : i32
      %mul3A_81 = arith.muli %scan3A_79, %mul3A_80 : i32
      %get3A_82 = arith.index_cast %mul3A_81 : i32 to index
      %get3A_83 = tpu.vector_load %arg5[%get3A_82] {strides = array<i32>} : memref<32768xi32, #tpu.memory_space<vmem>>, vector<16xi32>,
      %get3A_84 = vector.shape_cast %get3A_83 : vector<16xi32> to vector<16xi32>
      %mul3A_85 = arith.constant 16 : i32
      %mul3A_86 = arith.muli %scan3A_79, %mul3A_85 : i32
      %get3A_87 = arith.index_cast %mul3A_86 : i32 to index
      %get3A_88 = tpu.vector_load %arg7[%get3A_87] {strides = array<i32>} : memref<32768xf32, #tpu.memory_space<vmem>>, vector<16xf32>,
      %get3A_89 = vector.shape_cast %get3A_88 : vector<16xf32> to vector<16xf32>
      %ne3A_90 = arith.constant -1 : i32
      %ne3A_91 = vector.broadcast %ne3A_90 : i32 to vector<16xi32>
      %ne3A_92 = arith.cmpi ne, %get3A_84, %ne3A_91 : vector<16xi32>
      %jit3A_93 = arith.constant 0.000000e+00 : f32
      %broadcast_in_dim3A_94 = vector.broadcast %jit3A_93 : f32 to vector<16xf32>
      %select_n3A_95 = arith.select %ne3A_92, %get3A_89, %broadcast_in_dim3A_94 : vector<16xi1>, vector<16xf32>
      %add3A_96 = arith.addf %add3A_77, %select_n3A_95 : vector<16xf32>
      %scan3A_97 = arith.constant 3 : i32
      %scan3A_98 = arith.addi %scan3A_41, %scan3A_97 : i32
      %mul3A_99 = arith.constant 16 : i32
      %mul3A_100 = arith.muli %scan3A_98, %mul3A_99 : i32
      %get3A_101 = arith.index_cast %mul3A_100 : i32 to index
      %get3A_102 = tpu.vector_load %arg5[%get3A_101] {strides = array<i32>} : memref<32768xi32, #tpu.memory_space<vmem>>, vector<16xi32>,
      %get3A_103 = vector.shape_cast %get3A_102 : vector<16xi32> to vector<16xi32>
      %mul3A_104 = arith.constant 16 : i32
      %mul3A_105 = arith.muli %scan3A_98, %mul3A_104 : i32
      %get3A_106 = arith.index_cast %mul3A_105 : i32 to index
      %get3A_107 = tpu.vector_load %arg7[%get3A_106] {strides = array<i32>} : memref<32768xf32, #tpu.memory_space<vmem>>, vector<16xf32>,
      %get3A_108 = vector.shape_cast %get3A_107 : vector<16xf32> to vector<16xf32>
      %ne3A_109 = arith.constant -1 : i32
      %ne3A_110 = vector.broadcast %ne3A_109 : i32 to vector<16xi32>
      %ne3A_111 = arith.cmpi ne, %get3A_103, %ne3A_110 : vector<16xi32>
      %jit3A_112 = arith.constant 0.000000e+00 : f32
      %broadcast_in_dim3A_113 = vector.broadcast %jit3A_112 : f32 to vector<16xf32>
      %select_n3A_114 = arith.select %ne3A_111, %get3A_108, %broadcast_in_dim3A_113 : vector<16xi1>, vector<16xf32>
      %add3A_115 = arith.addf %add3A_96, %select_n3A_114 : vector<16xf32>
      scf.yield %add3A_115 : vector<16xf32>
    }
    %scan3A_37 = arith.constant 2048 : i32
    %swap3A = arith.constant 0 : index
    %swap3A_38 = tpu.vector_load %arg8[%swap3A] {strides = array<i32>} : memref<16xf32, #tpu.memory_space<vmem>>, vector<16xf32>,
    %swap3A_39 = vector.shape_cast %swap3A_38 : vector<16xf32> to vector<16xf32>
    %swap3A_40 = vector.shape_cast %scan3A_36 : vector<16xf32> to vector<16xf32>
    tpu.vector_store %arg8[%swap3A], %swap3A_40 {strides = array<i32>} : memref<16xf32, #tpu.memory_space<vmem>>, vector<16xf32>,
    "tpu.region"() ({
      %run_scoped3A = tpu.sem_alloc : memref<!tpu.dma_semaphore, #tpu.memory_space<semaphore_mem>>
      %dma_start3A_41 = arith.constant 0 : i32
      %dma_start3A_42 = tpu.memref_slice %arg4[%add3A, %dma_start3A_41] : memref<32x16xf32, #tpu.memory_space<hbm>> -> memref<1x16xf32, #tpu.memory_space<hbm>>
      %dma_start3A_43 = tpu.memref_squeeze %dma_start3A_42 : memref<1x16xf32, #tpu.memory_space<hbm>> -> memref<16xf32, #tpu.memory_space<hbm>>
      %dma_start3A_44 = arith.constant 0 : i32
      %dma_start3A_45 = tpu.memref_slice %arg4[%add3A, %dma_start3A_44] : memref<32x16xf32, #tpu.memory_space<hbm>> -> memref<1x16xf32, #tpu.memory_space<hbm>>
      %dma_start3A_46 = tpu.memref_squeeze %dma_start3A_45 : memref<1x16xf32, #tpu.memory_space<hbm>> -> memref<16xf32, #tpu.memory_space<hbm>>
      tpu.enqueue_dma source(%arg8 : memref<16xf32, #tpu.memory_space<vmem>>) target(%dma_start3A_46 : memref<16xf32, #tpu.memory_space<hbm>>) target_semaphore(%run_scoped3A : memref<!tpu.dma_semaphore, #tpu.memory_space<semaphore_mem>>)
      %dma_wait3A_47 = arith.constant 0 : i32
      %dma_wait3A_48 = tpu.memref_slice %arg4[%add3A, %dma_wait3A_47] : memref<32x16xf32, #tpu.memory_space<hbm>> -> memref<1x16xf32, #tpu.memory_space<hbm>>
      %dma_wait3A_49 = tpu.memref_squeeze %dma_wait3A_48 : memref<1x16xf32, #tpu.memory_space<hbm>> -> memref<16xf32, #tpu.memory_space<hbm>>
      %dma_wait3A_50 = arith.constant 0 : i32
      %dma_wait3A_51 = tpu.memref_slice %arg4[%add3A, %dma_wait3A_50] : memref<32x16xf32, #tpu.memory_space<hbm>> -> memref<1x16xf32, #tpu.memory_space<hbm>>
      %dma_wait3A_52 = tpu.memref_squeeze %dma_wait3A_51 : memref<1x16xf32, #tpu.memory_space<hbm>> -> memref<16xf32, #tpu.memory_space<hbm>>
      tpu.wait_dma2 semaphore(%run_scoped3A : memref<!tpu.dma_semaphore, #tpu.memory_space<semaphore_mem>>) src(%arg8 : memref<16xf32, #tpu.memory_space<vmem>>) dst(%dma_wait3A_52 : memref<16xf32, #tpu.memory_space<hbm>>)
      tpu.yield
    }) : () -> ()
    return
  }
}

module attributes {stable_mosaic.version = 14 : i64} {
  func.func @_lse_block(%arg0: i32, %arg1: i32, %arg2: memref<1x96x64x512xf32, #tpu.memory_space<vmem>>, %arg3: memref<1x64x512xi32, #tpu.memory_space<vmem>>, %arg4: memref<1x1xf32, #tpu.memory_space<smem>>, %arg5: memref<1x1xf32, #tpu.memory_space<smem>>) attributes {dimension_semantics = [#tpu.dimension_semantics<arbitrary>, #tpu.dimension_semantics<arbitrary>], iteration_bounds = array<i64: 4, 8>, scalar_prefetch = 0 : i64, scratch_operands = 0 : i64, tpu.core_type = #tpu.core_type<tc>, window_params = [{transform_indices = @transform_0, window_bounds = array<i64: 1, 96, 64, 512>}, {transform_indices = @transform_1, window_bounds = array<i64: 1, 64, 512>}, {transform_indices = @transform_2, window_bounds = array<i64: 1, 1>}, {transform_indices = @transform_3, window_bounds = array<i64: 1, 1>}]} {
    %mul3A = arith.constant 8 : i32
    %mul3A_0 = arith.muli %arg0, %mul3A : i32
    %add3A = arith.addi %mul3A_0, %arg1 : i32
    %eq3A = arith.constant 0 : i32
    %eq3A_1 = arith.cmpi eq, %add3A, %eq3A : i32
    %convert_element_type3A = arith.extui %eq3A_1 : i1 to i32
    %cond3A = arith.constant 0 : i32
    %cond3A_2 = arith.cmpi ne, %convert_element_type3A, %cond3A : i32
    scf.if %cond3A_2 {
      %swap3A_254 = arith.constant 0.000000e+00 : f32
      %swap3A_255 = arith.constant 0 : index
      %swap3A_256 = arith.constant 0 : index
      %swap3A_257 = memref.load %arg4[%swap3A_255, %swap3A_256] : memref<1x1xf32, #tpu.memory_space<smem>>
      memref.store %swap3A_254, %arg4[%swap3A_255, %swap3A_256] : memref<1x1xf32, #tpu.memory_space<smem>>
      %swap3A_258 = arith.constant 0.000000e+00 : f32
      %swap3A_259 = arith.constant 0 : index
      %swap3A_260 = arith.constant 0 : index
      %swap3A_261 = memref.load %arg5[%swap3A_259, %swap3A_260] : memref<1x1xf32, #tpu.memory_space<smem>>
      memref.store %swap3A_258, %arg5[%swap3A_259, %swap3A_260] : memref<1x1xf32, #tpu.memory_space<smem>>
    } else {
    }
    %broadcast_in_dim3A = arith.constant 0.000000e+00 : f32
    %broadcast_in_dim3A_3 = vector.broadcast %broadcast_in_dim3A : f32 to vector<8x512xf32>
    %broadcast_in_dim3A_4 = arith.constant 0.000000e+00 : f32
    %broadcast_in_dim3A_5 = vector.broadcast %broadcast_in_dim3A_4 : f32 to vector<8x512xf32>
    %get3A = arith.constant 0 : index
    %get3A_6 = arith.constant 0 : index
    %get3A_7 = arith.constant 0 : index
    %get3A_8 = arith.constant 0 : index
    %get3A_9 = vector.load %arg2[%get3A, %get3A_6, %get3A_7, %get3A_8] : memref<1x96x64x512xf32, #tpu.memory_space<vmem>>, vector<1x96x8x512xf32>
    %get3A_10 = vector.shape_cast %get3A_9 : vector<1x96x8x512xf32> to vector<96x8x512xf32>
    %get3A_11 = arith.constant 0 : index
    %get3A_12 = arith.constant 0 : index
    %get3A_13 = arith.constant 0 : index
    %get3A_14 = vector.load %arg3[%get3A_11, %get3A_12, %get3A_13] : memref<1x64x512xi32, #tpu.memory_space<vmem>>, vector<1x8x512xi32>
    %get3A_15 = vector.shape_cast %get3A_14 : vector<1x8x512xi32> to vector<8x512xi32>
    %ne3A = arith.constant -1 : i32
    %ne3A_16 = vector.broadcast %ne3A : i32 to vector<8x512xi32>
    %ne3A_17 = arith.cmpi ne, %get3A_15, %ne3A_16 : vector<8x512xi32>
    %convert_element_type3A_18 = arith.extui %ne3A_17 : vector<8x512xi1> to vector<8x512xi32>
    %convert_element_type3A_19 = arith.sitofp %convert_element_type3A_18 : vector<8x512xi32> to vector<8x512xf32>
    %reduce_max3A = arith.constant dense<0xFF800000> : vector<8x512xf32>
    %reduce_max3A_20 = vector.multi_reduction <maximumf>, %get3A_10, %reduce_max3A [0] : vector<96x8x512xf32> to vector<8x512xf32>
    %broadcast_in_dim3A_21 = vector.shape_cast %reduce_max3A_20 : vector<8x512xf32> to vector<1x8x512xf32>
    %sub3A = vector.broadcast %broadcast_in_dim3A_21 : vector<1x8x512xf32> to vector<96x8x512xf32>
    %sub3A_22 = arith.subf %get3A_10, %sub3A : vector<96x8x512xf32>
    %exp3A = math.exp %sub3A_22 : vector<96x8x512xf32>
    %reduce_sum3A = arith.constant dense<0.000000e+00> : vector<8x512xf32>
    %reduce_sum3A_23 = vector.multi_reduction <add>, %exp3A, %reduce_sum3A [0] : vector<96x8x512xf32> to vector<8x512xf32>
    %log3A = math.log %reduce_sum3A_23 : vector<8x512xf32>
    %add3A_24 = arith.addf %reduce_max3A_20, %log3A : vector<8x512xf32>
    %mul3A_25 = arith.mulf %add3A_24, %convert_element_type3A_19 : vector<8x512xf32>
    %add3A_26 = arith.addf %broadcast_in_dim3A_3, %mul3A_25 : vector<8x512xf32>
    %add3A_27 = arith.addf %broadcast_in_dim3A_5, %convert_element_type3A_19 : vector<8x512xf32>
    %get3A_28 = arith.constant 0 : index
    %get3A_29 = arith.constant 0 : index
    %get3A_30 = arith.constant 8 : index
    %get3A_31 = arith.constant 0 : index
    %get3A_32 = vector.load %arg2[%get3A_28, %get3A_29, %get3A_30, %get3A_31] : memref<1x96x64x512xf32, #tpu.memory_space<vmem>>, vector<1x96x8x512xf32>
    %get3A_33 = vector.shape_cast %get3A_32 : vector<1x96x8x512xf32> to vector<96x8x512xf32>
    %get3A_34 = arith.constant 0 : index
    %get3A_35 = arith.constant 8 : index
    %get3A_36 = arith.constant 0 : index
    %get3A_37 = vector.load %arg3[%get3A_34, %get3A_35, %get3A_36] : memref<1x64x512xi32, #tpu.memory_space<vmem>>, vector<1x8x512xi32>
    %get3A_38 = vector.shape_cast %get3A_37 : vector<1x8x512xi32> to vector<8x512xi32>
    %ne3A_39 = arith.constant -1 : i32
    %ne3A_40 = vector.broadcast %ne3A_39 : i32 to vector<8x512xi32>
    %ne3A_41 = arith.cmpi ne, %get3A_38, %ne3A_40 : vector<8x512xi32>
    %convert_element_type3A_42 = arith.extui %ne3A_41 : vector<8x512xi1> to vector<8x512xi32>
    %convert_element_type3A_43 = arith.sitofp %convert_element_type3A_42 : vector<8x512xi32> to vector<8x512xf32>
    %reduce_max3A_44 = arith.constant dense<0xFF800000> : vector<8x512xf32>
    %reduce_max3A_45 = vector.multi_reduction <maximumf>, %get3A_33, %reduce_max3A_44 [0] : vector<96x8x512xf32> to vector<8x512xf32>
    %broadcast_in_dim3A_46 = vector.shape_cast %reduce_max3A_45 : vector<8x512xf32> to vector<1x8x512xf32>
    %sub3A_47 = vector.broadcast %broadcast_in_dim3A_46 : vector<1x8x512xf32> to vector<96x8x512xf32>
    %sub3A_48 = arith.subf %get3A_33, %sub3A_47 : vector<96x8x512xf32>
    %exp3A_49 = math.exp %sub3A_48 : vector<96x8x512xf32>
    %reduce_sum3A_50 = arith.constant dense<0.000000e+00> : vector<8x512xf32>
    %reduce_sum3A_51 = vector.multi_reduction <add>, %exp3A_49, %reduce_sum3A_50 [0] : vector<96x8x512xf32> to vector<8x512xf32>
    %log3A_52 = math.log %reduce_sum3A_51 : vector<8x512xf32>
    %add3A_53 = arith.addf %reduce_max3A_45, %log3A_52 : vector<8x512xf32>
    %mul3A_54 = arith.mulf %add3A_53, %convert_element_type3A_43 : vector<8x512xf32>
    %add3A_55 = arith.addf %add3A_26, %mul3A_54 : vector<8x512xf32>
    %add3A_56 = arith.addf %add3A_27, %convert_element_type3A_43 : vector<8x512xf32>
    %get3A_57 = arith.constant 0 : index
    %get3A_58 = arith.constant 0 : index
    %get3A_59 = arith.constant 16 : index
    %get3A_60 = arith.constant 0 : index
    %get3A_61 = vector.load %arg2[%get3A_57, %get3A_58, %get3A_59, %get3A_60] : memref<1x96x64x512xf32, #tpu.memory_space<vmem>>, vector<1x96x8x512xf32>
    %get3A_62 = vector.shape_cast %get3A_61 : vector<1x96x8x512xf32> to vector<96x8x512xf32>
    %get3A_63 = arith.constant 0 : index
    %get3A_64 = arith.constant 16 : index
    %get3A_65 = arith.constant 0 : index
    %get3A_66 = vector.load %arg3[%get3A_63, %get3A_64, %get3A_65] : memref<1x64x512xi32, #tpu.memory_space<vmem>>, vector<1x8x512xi32>
    %get3A_67 = vector.shape_cast %get3A_66 : vector<1x8x512xi32> to vector<8x512xi32>
    %ne3A_68 = arith.constant -1 : i32
    %ne3A_69 = vector.broadcast %ne3A_68 : i32 to vector<8x512xi32>
    %ne3A_70 = arith.cmpi ne, %get3A_67, %ne3A_69 : vector<8x512xi32>
    %convert_element_type3A_71 = arith.extui %ne3A_70 : vector<8x512xi1> to vector<8x512xi32>
    %convert_element_type3A_72 = arith.sitofp %convert_element_type3A_71 : vector<8x512xi32> to vector<8x512xf32>
    %reduce_max3A_73 = arith.constant dense<0xFF800000> : vector<8x512xf32>
    %reduce_max3A_74 = vector.multi_reduction <maximumf>, %get3A_62, %reduce_max3A_73 [0] : vector<96x8x512xf32> to vector<8x512xf32>
    %broadcast_in_dim3A_75 = vector.shape_cast %reduce_max3A_74 : vector<8x512xf32> to vector<1x8x512xf32>
    %sub3A_76 = vector.broadcast %broadcast_in_dim3A_75 : vector<1x8x512xf32> to vector<96x8x512xf32>
    %sub3A_77 = arith.subf %get3A_62, %sub3A_76 : vector<96x8x512xf32>
    %exp3A_78 = math.exp %sub3A_77 : vector<96x8x512xf32>
    %reduce_sum3A_79 = arith.constant dense<0.000000e+00> : vector<8x512xf32>
    %reduce_sum3A_80 = vector.multi_reduction <add>, %exp3A_78, %reduce_sum3A_79 [0] : vector<96x8x512xf32> to vector<8x512xf32>
    %log3A_81 = math.log %reduce_sum3A_80 : vector<8x512xf32>
    %add3A_82 = arith.addf %reduce_max3A_74, %log3A_81 : vector<8x512xf32>
    %mul3A_83 = arith.mulf %add3A_82, %convert_element_type3A_72 : vector<8x512xf32>
    %add3A_84 = arith.addf %add3A_55, %mul3A_83 : vector<8x512xf32>
    %add3A_85 = arith.addf %add3A_56, %convert_element_type3A_72 : vector<8x512xf32>
    %get3A_86 = arith.constant 0 : index
    %get3A_87 = arith.constant 0 : index
    %get3A_88 = arith.constant 24 : index
    %get3A_89 = arith.constant 0 : index
    %get3A_90 = vector.load %arg2[%get3A_86, %get3A_87, %get3A_88, %get3A_89] : memref<1x96x64x512xf32, #tpu.memory_space<vmem>>, vector<1x96x8x512xf32>
    %get3A_91 = vector.shape_cast %get3A_90 : vector<1x96x8x512xf32> to vector<96x8x512xf32>
    %get3A_92 = arith.constant 0 : index
    %get3A_93 = arith.constant 24 : index
    %get3A_94 = arith.constant 0 : index
    %get3A_95 = vector.load %arg3[%get3A_92, %get3A_93, %get3A_94] : memref<1x64x512xi32, #tpu.memory_space<vmem>>, vector<1x8x512xi32>
    %get3A_96 = vector.shape_cast %get3A_95 : vector<1x8x512xi32> to vector<8x512xi32>
    %ne3A_97 = arith.constant -1 : i32
    %ne3A_98 = vector.broadcast %ne3A_97 : i32 to vector<8x512xi32>
    %ne3A_99 = arith.cmpi ne, %get3A_96, %ne3A_98 : vector<8x512xi32>
    %convert_element_type3A_100 = arith.extui %ne3A_99 : vector<8x512xi1> to vector<8x512xi32>
    %convert_element_type3A_101 = arith.sitofp %convert_element_type3A_100 : vector<8x512xi32> to vector<8x512xf32>
    %reduce_max3A_102 = arith.constant dense<0xFF800000> : vector<8x512xf32>
    %reduce_max3A_103 = vector.multi_reduction <maximumf>, %get3A_91, %reduce_max3A_102 [0] : vector<96x8x512xf32> to vector<8x512xf32>
    %broadcast_in_dim3A_104 = vector.shape_cast %reduce_max3A_103 : vector<8x512xf32> to vector<1x8x512xf32>
    %sub3A_105 = vector.broadcast %broadcast_in_dim3A_104 : vector<1x8x512xf32> to vector<96x8x512xf32>
    %sub3A_106 = arith.subf %get3A_91, %sub3A_105 : vector<96x8x512xf32>
    %exp3A_107 = math.exp %sub3A_106 : vector<96x8x512xf32>
    %reduce_sum3A_108 = arith.constant dense<0.000000e+00> : vector<8x512xf32>
    %reduce_sum3A_109 = vector.multi_reduction <add>, %exp3A_107, %reduce_sum3A_108 [0] : vector<96x8x512xf32> to vector<8x512xf32>
    %log3A_110 = math.log %reduce_sum3A_109 : vector<8x512xf32>
    %add3A_111 = arith.addf %reduce_max3A_103, %log3A_110 : vector<8x512xf32>
    %mul3A_112 = arith.mulf %add3A_111, %convert_element_type3A_101 : vector<8x512xf32>
    %add3A_113 = arith.addf %add3A_84, %mul3A_112 : vector<8x512xf32>
    %add3A_114 = arith.addf %add3A_85, %convert_element_type3A_101 : vector<8x512xf32>
    %get3A_115 = arith.constant 0 : index
    %get3A_116 = arith.constant 0 : index
    %get3A_117 = arith.constant 32 : index
    %get3A_118 = arith.constant 0 : index
    %get3A_119 = vector.load %arg2[%get3A_115, %get3A_116, %get3A_117, %get3A_118] : memref<1x96x64x512xf32, #tpu.memory_space<vmem>>, vector<1x96x8x512xf32>
    %get3A_120 = vector.shape_cast %get3A_119 : vector<1x96x8x512xf32> to vector<96x8x512xf32>
    %get3A_121 = arith.constant 0 : index
    %get3A_122 = arith.constant 32 : index
    %get3A_123 = arith.constant 0 : index
    %get3A_124 = vector.load %arg3[%get3A_121, %get3A_122, %get3A_123] : memref<1x64x512xi32, #tpu.memory_space<vmem>>, vector<1x8x512xi32>
    %get3A_125 = vector.shape_cast %get3A_124 : vector<1x8x512xi32> to vector<8x512xi32>
    %ne3A_126 = arith.constant -1 : i32
    %ne3A_127 = vector.broadcast %ne3A_126 : i32 to vector<8x512xi32>
    %ne3A_128 = arith.cmpi ne, %get3A_125, %ne3A_127 : vector<8x512xi32>
    %convert_element_type3A_129 = arith.extui %ne3A_128 : vector<8x512xi1> to vector<8x512xi32>
    %convert_element_type3A_130 = arith.sitofp %convert_element_type3A_129 : vector<8x512xi32> to vector<8x512xf32>
    %reduce_max3A_131 = arith.constant dense<0xFF800000> : vector<8x512xf32>
    %reduce_max3A_132 = vector.multi_reduction <maximumf>, %get3A_120, %reduce_max3A_131 [0] : vector<96x8x512xf32> to vector<8x512xf32>
    %broadcast_in_dim3A_133 = vector.shape_cast %reduce_max3A_132 : vector<8x512xf32> to vector<1x8x512xf32>
    %sub3A_134 = vector.broadcast %broadcast_in_dim3A_133 : vector<1x8x512xf32> to vector<96x8x512xf32>
    %sub3A_135 = arith.subf %get3A_120, %sub3A_134 : vector<96x8x512xf32>
    %exp3A_136 = math.exp %sub3A_135 : vector<96x8x512xf32>
    %reduce_sum3A_137 = arith.constant dense<0.000000e+00> : vector<8x512xf32>
    %reduce_sum3A_138 = vector.multi_reduction <add>, %exp3A_136, %reduce_sum3A_137 [0] : vector<96x8x512xf32> to vector<8x512xf32>
    %log3A_139 = math.log %reduce_sum3A_138 : vector<8x512xf32>
    %add3A_140 = arith.addf %reduce_max3A_132, %log3A_139 : vector<8x512xf32>
    %mul3A_141 = arith.mulf %add3A_140, %convert_element_type3A_130 : vector<8x512xf32>
    %add3A_142 = arith.addf %add3A_113, %mul3A_141 : vector<8x512xf32>
    %add3A_143 = arith.addf %add3A_114, %convert_element_type3A_130 : vector<8x512xf32>
    %get3A_144 = arith.constant 0 : index
    %get3A_145 = arith.constant 0 : index
    %get3A_146 = arith.constant 40 : index
    %get3A_147 = arith.constant 0 : index
    %get3A_148 = vector.load %arg2[%get3A_144, %get3A_145, %get3A_146, %get3A_147] : memref<1x96x64x512xf32, #tpu.memory_space<vmem>>, vector<1x96x8x512xf32>
    %get3A_149 = vector.shape_cast %get3A_148 : vector<1x96x8x512xf32> to vector<96x8x512xf32>
    %get3A_150 = arith.constant 0 : index
    %get3A_151 = arith.constant 40 : index
    %get3A_152 = arith.constant 0 : index
    %get3A_153 = vector.load %arg3[%get3A_150, %get3A_151, %get3A_152] : memref<1x64x512xi32, #tpu.memory_space<vmem>>, vector<1x8x512xi32>
    %get3A_154 = vector.shape_cast %get3A_153 : vector<1x8x512xi32> to vector<8x512xi32>
    %ne3A_155 = arith.constant -1 : i32
    %ne3A_156 = vector.broadcast %ne3A_155 : i32 to vector<8x512xi32>
    %ne3A_157 = arith.cmpi ne, %get3A_154, %ne3A_156 : vector<8x512xi32>
    %convert_element_type3A_158 = arith.extui %ne3A_157 : vector<8x512xi1> to vector<8x512xi32>
    %convert_element_type3A_159 = arith.sitofp %convert_element_type3A_158 : vector<8x512xi32> to vector<8x512xf32>
    %reduce_max3A_160 = arith.constant dense<0xFF800000> : vector<8x512xf32>
    %reduce_max3A_161 = vector.multi_reduction <maximumf>, %get3A_149, %reduce_max3A_160 [0] : vector<96x8x512xf32> to vector<8x512xf32>
    %broadcast_in_dim3A_162 = vector.shape_cast %reduce_max3A_161 : vector<8x512xf32> to vector<1x8x512xf32>
    %sub3A_163 = vector.broadcast %broadcast_in_dim3A_162 : vector<1x8x512xf32> to vector<96x8x512xf32>
    %sub3A_164 = arith.subf %get3A_149, %sub3A_163 : vector<96x8x512xf32>
    %exp3A_165 = math.exp %sub3A_164 : vector<96x8x512xf32>
    %reduce_sum3A_166 = arith.constant dense<0.000000e+00> : vector<8x512xf32>
    %reduce_sum3A_167 = vector.multi_reduction <add>, %exp3A_165, %reduce_sum3A_166 [0] : vector<96x8x512xf32> to vector<8x512xf32>
    %log3A_168 = math.log %reduce_sum3A_167 : vector<8x512xf32>
    %add3A_169 = arith.addf %reduce_max3A_161, %log3A_168 : vector<8x512xf32>
    %mul3A_170 = arith.mulf %add3A_169, %convert_element_type3A_159 : vector<8x512xf32>
    %add3A_171 = arith.addf %add3A_142, %mul3A_170 : vector<8x512xf32>
    %add3A_172 = arith.addf %add3A_143, %convert_element_type3A_159 : vector<8x512xf32>
    %get3A_173 = arith.constant 0 : index
    %get3A_174 = arith.constant 0 : index
    %get3A_175 = arith.constant 48 : index
    %get3A_176 = arith.constant 0 : index
    %get3A_177 = vector.load %arg2[%get3A_173, %get3A_174, %get3A_175, %get3A_176] : memref<1x96x64x512xf32, #tpu.memory_space<vmem>>, vector<1x96x8x512xf32>
    %get3A_178 = vector.shape_cast %get3A_177 : vector<1x96x8x512xf32> to vector<96x8x512xf32>
    %get3A_179 = arith.constant 0 : index
    %get3A_180 = arith.constant 48 : index
    %get3A_181 = arith.constant 0 : index
    %get3A_182 = vector.load %arg3[%get3A_179, %get3A_180, %get3A_181] : memref<1x64x512xi32, #tpu.memory_space<vmem>>, vector<1x8x512xi32>
    %get3A_183 = vector.shape_cast %get3A_182 : vector<1x8x512xi32> to vector<8x512xi32>
    %ne3A_184 = arith.constant -1 : i32
    %ne3A_185 = vector.broadcast %ne3A_184 : i32 to vector<8x512xi32>
    %ne3A_186 = arith.cmpi ne, %get3A_183, %ne3A_185 : vector<8x512xi32>
    %convert_element_type3A_187 = arith.extui %ne3A_186 : vector<8x512xi1> to vector<8x512xi32>
    %convert_element_type3A_188 = arith.sitofp %convert_element_type3A_187 : vector<8x512xi32> to vector<8x512xf32>
    %reduce_max3A_189 = arith.constant dense<0xFF800000> : vector<8x512xf32>
    %reduce_max3A_190 = vector.multi_reduction <maximumf>, %get3A_178, %reduce_max3A_189 [0] : vector<96x8x512xf32> to vector<8x512xf32>
    %broadcast_in_dim3A_191 = vector.shape_cast %reduce_max3A_190 : vector<8x512xf32> to vector<1x8x512xf32>
    %sub3A_192 = vector.broadcast %broadcast_in_dim3A_191 : vector<1x8x512xf32> to vector<96x8x512xf32>
    %sub3A_193 = arith.subf %get3A_178, %sub3A_192 : vector<96x8x512xf32>
    %exp3A_194 = math.exp %sub3A_193 : vector<96x8x512xf32>
    %reduce_sum3A_195 = arith.constant dense<0.000000e+00> : vector<8x512xf32>
    %reduce_sum3A_196 = vector.multi_reduction <add>, %exp3A_194, %reduce_sum3A_195 [0] : vector<96x8x512xf32> to vector<8x512xf32>
    %log3A_197 = math.log %reduce_sum3A_196 : vector<8x512xf32>
    %add3A_198 = arith.addf %reduce_max3A_190, %log3A_197 : vector<8x512xf32>
    %mul3A_199 = arith.mulf %add3A_198, %convert_element_type3A_188 : vector<8x512xf32>
    %add3A_200 = arith.addf %add3A_171, %mul3A_199 : vector<8x512xf32>
    %add3A_201 = arith.addf %add3A_172, %convert_element_type3A_188 : vector<8x512xf32>
    %get3A_202 = arith.constant 0 : index
    %get3A_203 = arith.constant 0 : index
    %get3A_204 = arith.constant 56 : index
    %get3A_205 = arith.constant 0 : index
    %get3A_206 = vector.load %arg2[%get3A_202, %get3A_203, %get3A_204, %get3A_205] : memref<1x96x64x512xf32, #tpu.memory_space<vmem>>, vector<1x96x8x512xf32>
    %get3A_207 = vector.shape_cast %get3A_206 : vector<1x96x8x512xf32> to vector<96x8x512xf32>
    %get3A_208 = arith.constant 0 : index
    %get3A_209 = arith.constant 56 : index
    %get3A_210 = arith.constant 0 : index
    %get3A_211 = vector.load %arg3[%get3A_208, %get3A_209, %get3A_210] : memref<1x64x512xi32, #tpu.memory_space<vmem>>, vector<1x8x512xi32>
    %get3A_212 = vector.shape_cast %get3A_211 : vector<1x8x512xi32> to vector<8x512xi32>
    %ne3A_213 = arith.constant -1 : i32
    %ne3A_214 = vector.broadcast %ne3A_213 : i32 to vector<8x512xi32>
    %ne3A_215 = arith.cmpi ne, %get3A_212, %ne3A_214 : vector<8x512xi32>
    %convert_element_type3A_216 = arith.extui %ne3A_215 : vector<8x512xi1> to vector<8x512xi32>
    %convert_element_type3A_217 = arith.sitofp %convert_element_type3A_216 : vector<8x512xi32> to vector<8x512xf32>
    %reduce_max3A_218 = arith.constant dense<0xFF800000> : vector<8x512xf32>
    %reduce_max3A_219 = vector.multi_reduction <maximumf>, %get3A_207, %reduce_max3A_218 [0] : vector<96x8x512xf32> to vector<8x512xf32>
    %broadcast_in_dim3A_220 = vector.shape_cast %reduce_max3A_219 : vector<8x512xf32> to vector<1x8x512xf32>
    %sub3A_221 = vector.broadcast %broadcast_in_dim3A_220 : vector<1x8x512xf32> to vector<96x8x512xf32>
    %sub3A_222 = arith.subf %get3A_207, %sub3A_221 : vector<96x8x512xf32>
    %exp3A_223 = math.exp %sub3A_222 : vector<96x8x512xf32>
    %reduce_sum3A_224 = arith.constant dense<0.000000e+00> : vector<8x512xf32>
    %reduce_sum3A_225 = vector.multi_reduction <add>, %exp3A_223, %reduce_sum3A_224 [0] : vector<96x8x512xf32> to vector<8x512xf32>
    %log3A_226 = math.log %reduce_sum3A_225 : vector<8x512xf32>
    %add3A_227 = arith.addf %reduce_max3A_219, %log3A_226 : vector<8x512xf32>
    %mul3A_228 = arith.mulf %add3A_227, %convert_element_type3A_217 : vector<8x512xf32>
    %add3A_229 = arith.addf %add3A_200, %mul3A_228 : vector<8x512xf32>
    %add3A_230 = arith.addf %add3A_201, %convert_element_type3A_217 : vector<8x512xf32>
    %get3A_231 = arith.constant 0 : index
    %get3A_232 = arith.constant 0 : index
    %get3A_233 = memref.load %arg4[%get3A_231, %get3A_232] : memref<1x1xf32, #tpu.memory_space<smem>>
    %reduce_sum3A_234 = vector.shape_cast %add3A_229 : vector<8x512xf32> to vector<1x8x512xf32>
    %reduce_sum3A_235 = arith.constant dense<0.000000e+00> : vector<1xf32>
    %reduce_sum3A_236 = vector.multi_reduction <add>, %reduce_sum3A_234, %reduce_sum3A_235 [1, 2] : vector<1x8x512xf32> to vector<1xf32>
    %reduce_sum3A_237 = vector.shape_cast %reduce_sum3A_236 : vector<1xf32> to vector<1x1x1xf32>
    %reduce_sum3A_238 = vector.extract %reduce_sum3A_237[0, 0, 0] : f32 from vector<1x1x1xf32>
    %add3A_239 = arith.addf %get3A_233, %reduce_sum3A_238 : f32
    %swap3A = arith.constant 0 : index
    %swap3A_240 = arith.constant 0 : index
    %swap3A_241 = memref.load %arg4[%swap3A, %swap3A_240] : memref<1x1xf32, #tpu.memory_space<smem>>
    memref.store %add3A_239, %arg4[%swap3A, %swap3A_240] : memref<1x1xf32, #tpu.memory_space<smem>>
    %get3A_242 = arith.constant 0 : index
    %get3A_243 = arith.constant 0 : index
    %get3A_244 = memref.load %arg5[%get3A_242, %get3A_243] : memref<1x1xf32, #tpu.memory_space<smem>>
    %reduce_sum3A_245 = vector.shape_cast %add3A_230 : vector<8x512xf32> to vector<1x8x512xf32>
    %reduce_sum3A_246 = arith.constant dense<0.000000e+00> : vector<1xf32>
    %reduce_sum3A_247 = vector.multi_reduction <add>, %reduce_sum3A_245, %reduce_sum3A_246 [1, 2] : vector<1x8x512xf32> to vector<1xf32>
    %reduce_sum3A_248 = vector.shape_cast %reduce_sum3A_247 : vector<1xf32> to vector<1x1x1xf32>
    %reduce_sum3A_249 = vector.extract %reduce_sum3A_248[0, 0, 0] : f32 from vector<1x1x1xf32>
    %add3A_250 = arith.addf %get3A_244, %reduce_sum3A_249 : f32
    %swap3A_251 = arith.constant 0 : index
    %swap3A_252 = arith.constant 0 : index
    %swap3A_253 = memref.load %arg5[%swap3A_251, %swap3A_252] : memref<1x1xf32, #tpu.memory_space<smem>>
    memref.store %add3A_250, %arg5[%swap3A_251, %swap3A_252] : memref<1x1xf32, #tpu.memory_space<smem>>
    return
  }
  func.func @transform_0(%arg0: i32, %arg1: i32) -> (i32, i32, i32, i32) {
    %c0_i32 = arith.constant 0 : i32
    %c0_i32_0 = arith.constant 0 : i32
    %c0_i32_1 = arith.constant 0 : i32
    return %arg0, %c0_i32, %arg1, %c0_i32_0 : i32, i32, i32, i32
  }
  func.func @transform_1(%arg0: i32, %arg1: i32) -> (i32, i32, i32) {
    %c0_i32 = arith.constant 0 : i32
    %c0_i32_0 = arith.constant 0 : i32
    return %arg0, %arg1, %c0_i32 : i32, i32, i32
  }
  func.func @transform_2(%arg0: i32, %arg1: i32) -> (i32, i32) {
    %c0_i32 = arith.constant 0 : i32
    %c0_i32_0 = arith.constant 0 : i32
    %c0_i32_1 = arith.constant 0 : i32
    return %c0_i32, %c0_i32_0 : i32, i32
  }
  func.func @transform_3(%arg0: i32, %arg1: i32) -> (i32, i32) {
    %c0_i32 = arith.constant 0 : i32
    %c0_i32_0 = arith.constant 0 : i32
    %c0_i32_1 = arith.constant 0 : i32
    return %c0_i32, %c0_i32_0 : i32, i32
  }
}

</mosaic_0001>

<sc_bundles>
// kernel: kernel.4.cloned.1.call-start
scs
__scs_entry_jumppad:
0x0: {  	(pc) =	sbr.rel $0x88, $3  }
0x1: {  	(tag) =	ssettag $0x0;
	lr =	simm.s32 $0x1  }
0x2: {  	[smem:$0x3F9F] =	sst lr;
	_ =	strace $0xD0000000  }
0x3: {  	_ = 	snop  }
0x4: {  	_ = 	snop  }
0x5: {  	_ = 	snop  }
0x6: {  	_ = 	snop  }
0x7: {  	_ = 	snop  }
__scs_overlays_trampoline_lowered:
0x8: {  	[smem:$0x3FAE] =	sst s0  }
0x9: {  	[smem:$0x3FAF] =	sst s1  }
0xa: {  	[smem:$0x3FB0] =	sst s2  }
0xb: {  	[smem:$0x3FB1] =	sst s3  }
0xc: {  	[smem:$0x3FB2] =	sst s4  }
0xd: {  	[smem:$0x3FB3] =	sst s5  }
0xe: {  	[smem:$0x3FB4] =	sst s6  }
0xf: {  	[smem:$0x3FB5] =	sst s7  }
0x10: {  	[smem:$0x3FB6] =	sst s8  }
0x11: {  	[smem:$0x3FB7] =	sst s9;
	s0 =	simm.s32 @!p0 $0x0  }
0x12: {  	s1 =	sld [smem:$0x3F9D];
	s0 =	simm.s32 @p0 $0x1  }
0x13: {  	[smem:$0x3FB8] =	sst s0;
	s0 =	simm.s32 @!p1 $0x0  }
0x14: {  	s2 =	sld [smem:$0x3F9C];
	s0 =	simm.s32 @p1 $0x1  }
0x15: {  	[smem:$0x3FB9] =	sst s0;
	s0 =	simm.s32 @!p2 $0x0  }
0x16: {  	s3 =	sld [smem:$0x3FDB];
	s0 =	simm.s32 @p2 $0x1  }
0x17: {  	s4 =	simm.s32 $0x1BF5;
	[smem:$0x3FBB] =	sst s0  }
0x18: {  	s0 =	sld [smem:$0x3F9E];
	_ =	swait.ge [sflag:s4], $0x0  }
0x19: {  	s7 =	sld [smem:$0x3F9F]  }
0x1a: {  	s8 =	sadd.s32 $0xFFFFE003, lr  }
0x1b: {  	s9 =	sadd.s32 $0xFFFFFEF7, lr;
	s5 =	simm.s32 $0xFFFFFFFF;
	p2 =	slt.u32 s8, $0xFFFFF086  }
0x1c: {  	p1 =	slt.u32 s9, $0xF7A;
	s5 =	simm.s32 @!p2 $0x0  }
0x1d: {  	s5 =	simm.s32 @p1 $0x1;
	p0 =	seq.s32 s7, s2  }
0x1e: {  	s7 =	smul.u32 @!p0 $0xF7A, s2;
	p2 =	seq.s32 @!p0 s5, $0x0  }
0x1f: {  	s9 =	smul.u32 $0xF7A, s1;
	s8 =	simm.s32 @!p0 $0x1BF5;
	p2 =	por !p2, p0  }
0x20: {  	[sflag:s8] =	ssyncset.s32 @!p0 $0xFFFFF086;
	s6 =	sadd.s32 @!p0 s3, s7;
	s7 =	simm.s32 @!p0 $0x108  }
0x21: {  	s3 =	sadd.s32 s3, s9;
	s6 =	sadd.s32 @!p0 $0x88, s6;
	s7 =	simm.s32 @p2 $0x1082  }
0x22: {  	[simem:s7], [sflag:s8] =	dma.local @!p0 [hbm:s6], $0xF7A  }
0x23: {  	s9 =	sor.u32 $0xD0000000, s2;
	s6 =	simm.s32 $0x108;
	_ =	swait.ge @!p0 [sflag:s8], $0x0  }
0x24: {  	s3 =	sadd.s32 $0x88, s3;
	s6 =	simm.s32 @!p1 $0x1082;
	[sflag:s4] =	ssyncset.s32 $0xFFFFF086  }
0x25: {  	[simem:s6], [sflag:s4] =	dma.local [hbm:s3], $0xF7A  }
0x26: {  	[smem:$0x3F9F] =	sst s1;
	(tag) =	ssettag s2;
	_ =	strace s9  }
0x27: {  	s1 =	sld [smem:$0x3FAF]  }
0x28: {  	s2 =	sld [smem:$0x3FB0]  }
0x29: {  	s4 =	sld [smem:$0x3FB2]  }
0x2a: {  	p0 =	seq.s32 s5, $0x0;
	s5 =	sld [smem:$0x3FB3]  }
0x2b: {  	s6 =	sld [smem:$0x3FB4]  }
0x2c: {  	s7 =	sld [smem:$0x3FB5]  }
0x2d: {  	s3 =	simm.s32 $0x108;
	s8 =	sld [smem:$0x3FB6]  }
0x2e: {  	s3 =	simm.s32 @!p0 $0x1082;
	s9 =	sld [smem:$0x3FB7]  }
0x2f: {  	lr =	sadd.s32 s0, s3;
	s0 =	sld [smem:$0x3FAE]  }
0x30: {  	s3 =	sld [smem:$0x3FB1]  }
0x31: {  	[smem:$0x3FBA] =	sst s10  }
0x32: {  	s10 =	sld [smem:$0x3FB8];
	_ =	sdelay $0x3  }
0x33: {  	p0 =	seq.s32 s10, $0x1;
	s10 =	sld [smem:$0x3FBA];
	_ =	sdelay $0x3  }
0x34: {  	[smem:$0x3FBA] =	sst s10  }
0x35: {  	s10 =	sld [smem:$0x3FB9];
	_ =	sdelay $0x3  }
0x36: {  	p1 =	seq.s32 s10, $0x1;
	s10 =	sld [smem:$0x3FBA];
	_ =	sdelay $0x3  }
0x37: {  	[smem:$0x3FBA] =	sst s10  }
0x38: {  	s10 =	sld [smem:$0x3FBB]  }
0x39: {  	_ = 	snop;
	(pc) =	sbr.ind lr, $3  }
0x3a: {  	_ = 	snop  }
0x3b: {  	_ = 	snop  }
0x3c: {  	p2 =	seq.s32 s10, $0x1;
	s10 =	sld [smem:$0x3FBA]  }
0x3d: {  	_ =	shalt  }
0x3e: {  	_ =	shalt  }
0x3f: {  	_ =	shalt  }
0x40: {  	_ =	shalt  }
0x41: {  	_ =	shalt  }
0x42: {  	_ =	shalt  }
0x43: {  	_ =	shalt  }
0x44: {  	_ =	shalt  }
0x45: {  	_ =	shalt  }
0x46: {  	_ =	shalt  }
0x47: {  	_ =	shalt  }
0x48: {  	_ =	shalt  }
0x49: {  	_ =	shalt  }
0x4a: {  	_ =	shalt  }
0x4b: {  	_ =	shalt  }
0x4c: {  	_ =	shalt  }
0x4d: {  	_ =	shalt  }
0x4e: {  	_ =	shalt  }
0x4f: {  	_ =	shalt  }
0x50: {  	_ =	shalt  }
0x51: {  	_ =	shalt  }
0x52: {  	_ =	shalt  }
0x53: {  	_ =	shalt  }
0x54: {  	_ =	shalt  }
0x55: {  	_ =	shalt  }
0x56: {  	_ =	shalt  }
0x57: {  	_ =	shalt  }
0x58: {  	_ =	shalt  }
0x59: {  	_ =	shalt  }
0x5a: {  	_ =	shalt  }
0x5b: {  	_ =	shalt  }
0x5c: {  	_ =	shalt  }
0x5d: {  	_ =	shalt  }
0x5e: {  	_ =	shalt  }
0x5f: {  	_ =	shalt  }
0x60: {  	_ =	shalt  }
0x61: {  	_ =	shalt  }
0x62: {  	_ =	shalt  }
0x63: {  	_ =	shalt  }
0x64: {  	_ =	shalt  }
0x65: {  	_ =	shalt  }
0x66: {  	_ =	shalt  }
0x67: {  	_ =	shalt  }
0x68: {  	_ =	shalt  }
0x69: {  	_ =	shalt  }
0x6a: {  	_ =	shalt  }
0x6b: {  	_ =	shalt  }
0x6c: {  	_ =	shalt  }
0x6d: {  	_ =	shalt  }
0x6e: {  	_ =	shalt  }
0x6f: {  	_ =	shalt  }
0x70: {  	_ =	shalt  }
0x71: {  	_ =	shalt  }
0x72: {  	_ =	shalt  }
0x73: {  	_ =	shalt  }
0x74: {  	_ =	shalt  }
0x75: {  	_ =	shalt  }
0x76: {  	_ =	shalt  }
0x77: {  	_ =	shalt  }
0x78: {  	_ =	shalt  }
0x79: {  	_ =	shalt  }
0x7a: {  	_ =	shalt  }
0x7b: {  	_ =	shalt  }
0x7c: {  	_ =	shalt  }
0x7d: {  	_ =	shalt  }
0x7e: {  	_ =	shalt  }
0x7f: {  	_ =	shalt  }
0x80: {  	_ =	shalt  }
0x81: {  	_ =	shalt  }
0x82: {  	_ =	shalt  }
0x83: {  	_ =	shalt  }
0x84: {  	_ =	shalt  }
0x85: {  	_ =	shalt  }
0x86: {  	_ =	shalt  }
0x87: {  	_ =	shalt  }
.Lfunc_end0:
.L_simem_size_0:
called_computation.1_lowered:
.L_overlay_start_0:
0x88: {  	s2 =	sld [smem:$0x3FD9]  }
0x89: {  	s3 =	sld [smem:$0x3FFE];
	_ =	sdelay $0x1  }
0x8a: {  	s1 =	srdreg.scid  }
0x8b: {  	s0 =	sand.u32 $0x1, s1  }
0x8c: {  	s16 =	sshll.u32 s0, $0xA;
	s2 =	sadd.s32 s3, s2  }
0x8d: {  	s2 =	sadd.s32 s2, s16  }
0x8e: {  	[smem:$0x3FC6] =	sst s2  }
0x8f: {  	_ = 	snop  }
0x90: {  	(tm) =	ssettm $0x1  }
0x91: {  	s17 =	sld [smem:$0x3FFB];
	_ =	sdelay $0x3  }
0x92: {  	_ =	strace s17  }
0x93: {  	s2 =	sld [smem:$0x3FFC];
	_ =	sdelay $0x3  }
0x94: {  	_ =	strace s2  }
0x95: {  	s2 =	sld [smem:$0x3FFD];
	_ =	sdelay $0x3  }
0x96: {  	_ =	strace s2  }
0x97: {  	_ =	strace $0x8FFFFFFF  }
0x98: {  	s18 =	sld [smem:$0x3FDB];
	_ =	sdelay $0x1  }
0x99: {  	s19 =	simm.s32 $_scs_section_size  }
0x9a: {  	s4 =	simm.s32 $_size__tile_overlayer_lowered;
	s5 =	simm.s32 $_tile_overlayer_lowered  }
0x9b: {  	s22 =	simm.s32 $0x1BFF;
	s21 =	sshll.u32 s5, $0x1;
	s2 =	sadd.s32 s19, s18  }
0x9c: {  	s6 =	simm.s32 $0x0;
	s20 =	sshll.u32 s4, $0x1;
	s4 =	sadd.s32 s21, s2  }
0x9d: {  	[timem:s6], [sflag:s22] =	dma.local [hbm:s4], s20  }
0x9e: {  	_ =	swait.ge [sflag:s22], s20  }
0x9f: {  	s3 =	ssub.s32 $0x0, s20;
	[sflag:s22] =	ssyncset.done $0x0  }
0xa0: {  	[sflag:s22] =	ssyncadd.s32 s3;
	_ =	sdelay $0x1  }
0xa1: {  	s23 =	simm.s32 $0x1B8B  }
0xa2: {  	_ =	swait.ge [sflag:s23], $0x1  }
0xa3: {  	[sflag:s23] =	ssyncset.done $0x0  }
0xa4: {  	s25 =	simm.s32 $0x1B8E;
	s24 =	sld [smem:$0x3FFE];
	[sflag:s23] =	ssyncadd.s32 $0xFFFFFFFF  }
0xa5: {  	s26 =	simm.s32 $execute0_lowered;
	[smem:$0x3FD2] =	sst s25  }
0xa6: {  	s4 =	sshll.u32 s26, $0x1;
	_ =	strace $0x80000049;
	[dreg:$0x1] =	wrdreg $0xFFFFFFFF  }
0xa7: {  	s28 =	simm.s32 $_size_execute0_lowered;
	s2 =	sadd.s32 s2, s4;
	[dreg:$0x0] =	wrdreg $0x0  }
0xa8: {  	s4 =	sshll.u32 s28, $0x1;
	[dreg:$0x2] =	wrdreg s2  }
0xa9: {  	[dreg:$0x3] =	wrdreg s4  }
0xaa: {  	[dreg:$0x4] =	wrdreg $0xC0  }
0xab: {  	_ =	task [dreg:s6], $0x5FFFF  }
0xac: {  	[dreg:$0x1] =	wrdreg $0xFFFFFFFF  }
0xad: {  	[dreg:$0x0] =	wrdreg $0x60  }
0xae: {  	[dreg:$0x2] =	wrdreg s24  }
0xaf: {  	[dreg:$0x3] =	wrdreg $0x9  }
0xb0: {  	_ =	task.clear_ibuf [dreg:s6], $0x4FFFF;
	_ =	strace $0x90000049  }
0xb1: {  	s29 =	simm.s32 $0x9;
	_ =	strace $0x8000004B  }
0xb2: {  	_ =	swait.ge [sflag:s29], $0x1  }
0xb3: {  	[sflag:s29] =	ssyncadd.s32 $0xFFFFFFFF  }
0xb4: {  	_ =	strace $0x9000004B  }
0xb5: {  	_ =	sfence  }
0xb6: {  	s30 =	sld [smem:$0x0];
	_ =	sdelay $0x2  }
0xb7: {  	s31 =	sshll.u32 s1, $0xD;
	s1 =	sshrl.u32 s1, $0x2  }
0xb8: {  	s3 =	sand.u32 $0x4000, s31;
	s1 =	sadd.s32 s1, s30  }
0xb9: {  	s0 =	sor.u32 s3, s0;
	s1 =	sshll.u32 s1, $0x11  }
0xba: {  	s0 =	sor.u32 s1, s0  }
0xbb: {  	s0 =	sadd.s32 $0x8F2B, s0  }
0xbc: {  	[sflag:s0] =	ssyncadd.remote.s32 $0x1  }
0xbd: {  	_ =	sfence.sel $0xFFFF  }
0xbe: {  	[dreg:$0x0] =	wrdreg $0xFFFFFFFF;
	(pc) =	sbr.abs _section_cstart, $3  }
0xbf: {  	[dreg:$0x1] =	wrdreg $0xFFFFFFFF  }
0xc0: {  	_ =	task.clear_ibuf [dreg:s6], $0x2FFFF;
	_ =	strace $0x9FFFFFFF  }
0xc1: {  	(tm) =	ssettm $0x7FFFFFFF  }
tec
execute0_lowered:
.L_overlay_start_1:
0x0: {  	(tag) =	ssettag $0x1  }
0x1: {  	s4 =	rddreg [dreg:$0x0]  }
0x2: {  	s0 =	rddreg [dreg:$0x1];
	s2 =	simm.s32 $0x0;
	s3 =	srdreg.scid  }
0x3: {  	s1 =	stileid.u32;
	s11 =	simm.s32 $0x1;
	s12 =	simm.s32 $0x18000  }
0x4: {  	s13 =	simm.s32 $0x0;
	[smem:$0x7FF] =	sst s2;
	s5 =	sand.u32 $0x1, s3  }
0x5: {  	s28 =	sshll.u32 s1, $0x1;
	s3 =	sadd.s32 $0xA00, s4;
	s8 =	sshrl.u32 s1, $0x2  }
0x6: {  	s9 =	sshll.u32 s1, $0x10;
	_ =	strace $0x8000004A;
	s6 =	sor.u32 s5, s28  }
0x7: {  	s8 =	smul.u32 $0x17C0000, s8;
	s29 =	ssub.s32 $0x2, s5;
	s5 =	sshll.u32 s5, $0xF  }
0x8: {  	s7 =	sshll.u32 s6, $0xC;
	s6 =	sshll.u32 s6, $0x4;
	s10 =	sshrl.u32 s29, $0x1  }
0x9: {  	s7 =	sadd.s32 s7, s4;
	s6 =	sadd.s32 s6, s4;
	s8 =	sadd.s32 s9, s8  }
0xa: {  	s30 =	ssub.s32 s29, s10;
	s9 =	simm.s32 $0x8000;
	s10 =	simm.s32 $0x10000  }
0xb: {  	s4 =	sadd.s32 $0xC00A00, s7;
	s31 =	sor.u32 s5, s8;
	s5 =	sadd.s32 $0xC20A00, s6  }
0xc: {  	v0 =	vlaneseq.u32;
	s6 =	smax.u32 s30, $0x1;
	s8 =	simm.s32 $0x2;
	s7 =	sor.u32 $0x30, s31  }
.LBB2_1:
0xd: {  	[tilespmem:s2], [sflag:$0x2] =	stream.linear.gather [hbm4b:s4+s2], $0x8000, $0x38;
	[tilespmem:$0x18080] =	vst v63  }
0xe: {  	_ =	swait.ge [sflag:s8], $0x8000  }
0xf: {  	[sflag:s8] =	ssyncset.done $0x0  }
0x10: {  	s15 =	simm.s32 $0x20;
	[sflag:s8] =	ssyncadd.s32 $0xFFFF8000  }
0x11: {  	v1 =	vld [tilespmem:s15+$0xFFFFFFE0];
	_ =	sdelay $0x4  }
0x12: {  	vm0 =	vgt.s32 v1, $0x0  }
0x13: {  	v1 =	vnsel vm0, $0x0, v1  }
0x14: {  	s14 =	sadd.s32 $0xFFFFFFD0, s7;
	v1 =	vshll.u32 v1, $0x12  }
0x15: {  	v1 =	vadd.s32 s14, v1  }
0x16: {  	s14 =	simm.s32 $0x8020;
	v1 =	vadd.s32 v0, v1  }
0x17: {  	[tilespmem:s14+$0xFFFFFFE0] =	vst v1  }
0x18: {  	v1 =	vld [tilespmem:s15+$0xFFFFFFF0];
	_ =	sdelay $0x4  }
0x19: {  	vm13 =	vgt.s32 v1, $0x0  }
0x1a: {  	v1 =	vnsel vm13, $0x0, v1  }
0x1b: {  	s16 =	sadd.s32 $0xFFFFFFE0, s7;
	v1 =	vshll.u32 v1, $0x12  }
0x1c: {  	v1 =	vadd.s32 s16, v1  }
0x1d: {  	v1 =	vadd.s32 v0, v1  }
0x1e: {  	[tilespmem:s14+$0xFFFFFFF0] =	vst v1  }
0x1f: {  	v1 =	vld [tilespmem:s15+$0x0];
	_ =	sdelay $0x4  }
0x20: {  	vm14 =	vgt.s32 v1, $0x0  }
0x21: {  	v1 =	vnsel vm14, $0x0, v1  }
0x22: {  	s31 =	sadd.s32 $0xFFFFFFF0, s7;
	v1 =	vshll.u32 v1, $0x12  }
0x23: {  	v1 =	vadd.s32 s31, v1  }
0x24: {  	v1 =	vadd.s32 v0, v1  }
0x25: {  	[tilespmem:s14+$0x0] =	vst v1  }
0x26: {  	v1 =	vld [tilespmem:s15+$0x10];
	_ =	sdelay $0x4  }
0x27: {  	vm15 =	vgt.s32 v1, $0x0  }
0x28: {  	v1 =	vnsel vm15, $0x0, v1  }
0x29: {  	v1 =	vshll.u32 v1, $0x12  }
0x2a: {  	v1 =	vadd.s32 s7, v1  }
0x2b: {  	v1 =	vadd.s32 v0, v1  }
0x2c: {  	s17 =	smov.u32 s7;
	s16 =	simm.s32 $0x60;
	s15 =	simm.s32 $0x0;
	[tilespmem:s14+$0x10] =	vst v1  }
.LBB2_2:
0x2d: {  	v1 =	vld [tilespmem:s16+$0xFFFFFFE0];
	s15 =	sadd.s32 $0x4, s15  }
0x2e: {  	p0 =	slt.u32 s15, $0x7FC;
	_ =	sdelay $0x3  }
0x2f: {  	vm0 =	vgt.s32 v1, $0x0  }
0x30: {  	s17 =	sadd.s32 $0x40, s17;
	v1 =	vnsel vm0, $0x0, v1  }
0x31: {  	s18 =	sadd.s32 $0xFFFFFFD0, s17;
	v1 =	vshll.u32 v1, $0x12  }
0x32: {  	v1 =	vadd.s32 s18, v1  }
0x33: {  	s14 =	sadd.s32 $0x40, s14;
	v1 =	vadd.s32 v0, v1  }
0x34: {  	[tilespmem:s14+$0xFFFFFFE0] =	vst v1  }
0x35: {  	v1 =	vld [tilespmem:s16+$0xFFFFFFF0];
	_ =	sdelay $0x4  }
0x36: {  	vm0 =	vgt.s32 v1, $0x0  }
0x37: {  	v1 =	vnsel vm0, $0x0, v1  }
0x38: {  	s18 =	sadd.s32 $0xFFFFFFE0, s17;
	v1 =	vshll.u32 v1, $0x12  }
0x39: {  	v1 =	vadd.s32 s18, v1  }
0x3a: {  	v1 =	vadd.s32 v0, v1  }
0x3b: {  	[tilespmem:s14+$0xFFFFFFF0] =	vst v1  }
0x3c: {  	v1 =	vld [tilespmem:s16+$0x0];
	_ =	sdelay $0x4  }
0x3d: {  	vm0 =	vgt.s32 v1, $0x0  }
0x3e: {  	v1 =	vnsel vm0, $0x0, v1  }
0x3f: {  	s18 =	sadd.s32 $0xFFFFFFF0, s17;
	v1 =	vshll.u32 v1, $0x12  }
0x40: {  	v1 =	vadd.s32 s18, v1  }
0x41: {  	v1 =	vadd.s32 v0, v1  }
0x42: {  	[tilespmem:s14+$0x0] =	vst v1  }
0x43: {  	v1 =	vld [tilespmem:s16+$0x10];
	_ =	sdelay $0x4  }
0x44: {  	vm0 =	vgt.s32 v1, $0x0  }
.Ltmp0:
0x45: {  	v1 =	vnsel vm0, $0x0, v1;
	(pc) =	sbr.rel @p0 .LBB2_2-.Ltmp0, $4  }
0x46: {  	v1 =	vshll.u32 v1, $0x12  }
0x47: {  	v1 =	vadd.s32 s17, v1  }
0x48: {  	v1 =	vadd.s32 v0, v1  }
0x49: {  	s16 =	sadd.s32 $0x40, s16;
	[tilespmem:s14+$0x10] =	vst v1  }
0x4a: {  	[tilespmem:s10], [sflag:$0x1] =	stream.indirect.gather [hbm4b:s3+s9], $0x1, s9, s9, $0xb8;
	[tilespmem:$0x18080] =	vst v63  }
0x4b: {  	_ =	swait.ge [sflag:s11], $0x8000  }
0x4c: {  	[sflag:s11] =	ssyncset.done $0x0  }
0x4d: {  	s15 =	simm.s32 $0x20;
	[sflag:s11] =	ssyncadd.s32 $0xFFFF8000  }
0x4e: {  	s14 =	simm.s32 $0x10020;
	v2 =	vld [tilespmem:s15+$0xFFFFFFE0]  }
0x4f: {  	v4 =	vld [tilespmem:s14+$0xFFFFFFE0]  }
0x50: {  	v5 =	vld [tilespmem:s15+$0xFFFFFFF0]  }
0x51: {  	v3 =	vld [tilespmem:s14+$0xFFFFFFF0]  }
0x52: {  	v1 =	vld [tilespmem:s15+$0x0]  }
0x53: {  	vm0 =	veq.s32 v2, $0xFFFFFFFF;
	v2 =	vld [tilespmem:s14+$0x0]  }
0x54: {  	v6 =	vimm.f32 $0.0e+00;
	v7 =	vsel vm0, $0x0, v4;
	v4 =	vld [tilespmem:s15+$0x10]  }
0x55: {  	s16 =	simm.s32 $0x60;
	s15 =	simm.s32 $0x0;
	vm0 =	veq.s32 v5, $0xFFFFFFFF;
	v5 =	vld [tilespmem:s14+$0x10];
	v6 =	vadd.f32 v7, v6  }
.LBB2_4:
0x56: {  	v7 =	vld [tilespmem:s16+$0xFFFFFFE0];
	s15 =	sadd.s32 $0x4, s15;
	v3 =	vsel vm0, $0x0, v3;
	s14 =	sadd.s32 $0x40, s14  }
0x57: {  	v8 =	vld [tilespmem:s14+$0xFFFFFFE0];
	p0 =	slt.u32 s15, $0x7FC;
	v6 =	vadd.f32 v3, v6;
	vm0 =	veq.s32 v1, $0xFFFFFFFF  }
0x58: {  	v9 =	vld [tilespmem:s16+$0xFFFFFFF0];
	v1 =	vsel vm0, $0x0, v2  }
.Ltmp1:
0x59: {  	v3 =	vld [tilespmem:s14+$0xFFFFFFF0];
	v6 =	vadd.f32 v1, v6;
	vm0 =	veq.s32 v4, $0xFFFFFFFF;
	(pc) =	sbr.rel @p0 .LBB2_4-.Ltmp1, $4  }
0x5a: {  	v1 =	vld [tilespmem:s16+$0x0];
	v4 =	vsel vm0, $0x0, v5  }
0x5b: {  	vm0 =	veq.s32 v7, $0xFFFFFFFF;
	v2 =	vld [tilespmem:s14+$0x0];
	v5 =	vadd.f32 v4, v6  }
0x5c: {  	v6 =	vsel vm0, $0x0, v8;
	v4 =	vld [tilespmem:s16+$0x10]  }
0x5d: {  	s16 =	sadd.s32 $0x40, s16;
	v6 =	vadd.f32 v6, v5;
	vm0 =	veq.s32 v9, $0xFFFFFFFF;
	v5 =	vld [tilespmem:s14+$0x10]  }
0x5e: {  	v3 =	vsel vm0, $0x0, v3  }
0x5f: {  	v3 =	vadd.f32 v3, v6;
	vm14 =	veq.s32 v1, $0xFFFFFFFF  }
0x60: {  	v1 =	vsel vm14, $0x0, v2  }
0x61: {  	v1 =	vadd.f32 v1, v3;
	vm15 =	veq.s32 v4, $0xFFFFFFFF  }
0x62: {  	v2 =	vsel vm15, $0x0, v5  }
0x63: {  	s13 =	sadd.s32 $0x1, s13;
	v1 =	vadd.f32 v2, v1  }
0x64: {  	p0 =	sne.s32 s13, s6  }
.Ltmp2:
0x65: {  	[tilespmem:$0x18000] =	vst v1;
	(pc) =	sbr.rel @p0 .LBB2_1-.Ltmp2, $4  }
0x66: {  	[hbm4b:s5+s2] =	stream.linear.scatter [tilespmem:s12], [sflag:$0x2], $0x80, $0x38;
	[tilespmem:$0x18080] =	vst v63  }
0x67: {  	_ =	swait.ge [sflag:s8], $0x80  }
0x68: {  	[sflag:s8] =	ssyncset.done $0x0  }
0x69: {  	[sflag:s8] =	ssyncadd.s32 $0xFFFFFF80  }
0x6a: {  	_ =	sfence.sel $0x180000  }
0x6b: {  	[bflag:$0x0] =	sbarrier.arrive $0xFFFF  }
0x6c: {  	p0 =	sne.s32 s1, $0x0;
	_ =	strace $0x9000004A  }
0x6d: {  	s0 =	sadd.s32 @!p0 $0x100000, s0;
	[bflag:$0x2] =	sbarrier.arrive $0xFFFF  }
0x6e: {  	[sflag:s0] =	ssyncadd.tile.s32 @!p0 $0x1;
	_ =	shalt  }
.Lfunc_end2:
_tile_overlayer_lowered:
.L_overlay_start_2:
0x6f: {  	(tag) =	ssettag $0x2  }
0x70: {  	s0 =	rddreg [dreg:$0x0];
	s2 =	stileid.u32  }
0x71: {  	s1 =	rddreg [dreg:$0x1];
	p0 =	sne.s32 s2, $0x0  }
0x72: {  	s3 =	rddreg [dreg:$0x2];
	[bflag:$0x3] =	sbarrier.arrive $0xFFFF;
	s2 =	simm.s32 @!p0 $0x1C02  }
0x73: {  	[timem:s3], [sflag:s2] =	dma.local @!p0 [hbm:s0], s1  }
0x74: {  	s0 =	simm.s32 @!p0 $0x2  }
0x75: {  	_ =	swait.ge @!p0 [sflag:s0], s1  }
0x76: {  	s1 =	ssub.s32 @!p0 $0x0, s1;
	[sflag:s0] =	ssyncset.done @!p0 $0x0  }
0x77: {  	[sflag:s0] =	ssyncadd.s32 @!p0 s1  }
0x78: {  	[bflag:$0x3] =	sbarrier.arrive $0xFFFF  }
0x79: {  	_ =	shalt  }

// kernel: sparse-core-data-format-call.cloned.1.call-start
scs
called_computation_lowered:
.L_overlay_start_0:
0x0: {  	s2 =	sld [smem:$0x3FD9]  }
0x1: {  	s3 =	sld [smem:$0x3FFE];
	_ =	sdelay $0x1  }
0x2: {  	s1 =	srdreg.scid  }
0x3: {  	s0 =	sand.u32 $0x1, s1  }
0x4: {  	s18 =	sshll.u32 s0, $0xA;
	s2 =	sadd.s32 s3, s2  }
0x5: {  	s2 =	sadd.s32 s2, s18  }
0x6: {  	[smem:$0x3FC6] =	sst s2  }
0x7: {  	_ = 	snop  }
0x8: {  	s2 =	sld [smem:$0x3FC9];
	(tm) =	ssettm $0x1  }
0x9: {  	s19 =	sld [smem:$0x3FFB];
	_ =	sdelay $0x3  }
0xa: {  	_ =	strace s19  }
0xb: {  	s3 =	sld [smem:$0x3FFC];
	_ =	sdelay $0x3  }
0xc: {  	_ =	strace s3  }
0xd: {  	s3 =	sld [smem:$0x3FFD];
	_ =	sdelay $0x3  }
0xe: {  	_ =	strace s3  }
0xf: {  	_ =	strace $0x8FFFFFFF  }
0x10: {  	s20 =	sld [smem:$0x3FDB];
	_ =	sdelay $0x1  }
0x11: {  	s4 =	simm.s32 $_scs_section_size  }
0x12: {  	s5 =	simm.s32 $_size__tile_overlayer_lowered;
	s6 =	simm.s32 $_tile_overlayer_lowered  }
0x13: {  	s23 =	simm.s32 $0x1BFF;
	s22 =	sshll.u32 s6, $0x1;
	s3 =	sadd.s32 s4, s20  }
0x14: {  	s7 =	simm.s32 $0x0;
	s21 =	sshll.u32 s5, $0x1;
	s5 =	sadd.s32 s22, s3  }
0x15: {  	[timem:s7], [sflag:s23] =	dma.local [hbm:s5], s21  }
0x16: {  	_ =	swait.ge [sflag:s23], s21  }
0x17: {  	s4 =	ssub.s32 $0x0, s21;
	[sflag:s23] =	ssyncset.done $0x0  }
0x18: {  	[sflag:s23] =	ssyncadd.s32 s4;
	_ =	sdelay $0x1  }
0x19: {  	s24 =	simm.s32 $0x1B8B  }
0x1a: {  	_ =	swait.ge [sflag:s24], $0x1  }
0x1b: {  	[sflag:s24] =	ssyncset.done $0x0  }
0x1c: {  	s26 =	simm.s32 $0x1B8E;
	s25 =	sld [smem:$0x3FFE];
	[sflag:s24] =	ssyncadd.s32 $0xFFFFFFFF  }
0x1d: {  	s27 =	simm.s32 $execute0_lowered;
	[smem:$0x3FD2] =	sst s26  }
0x1e: {  	s5 =	sshll.u32 s27, $0x1;
	_ =	strace $0x80000046;
	[dreg:$0x1] =	wrdreg $0xFFFFFFFF  }
0x1f: {  	s28 =	simm.s32 $_size_execute0_lowered;
	s3 =	sadd.s32 s3, s5;
	[dreg:$0x0] =	wrdreg $0x0  }
0x20: {  	s5 =	sshll.u32 s28, $0x1;
	[dreg:$0x2] =	wrdreg s3  }
0x21: {  	[dreg:$0x3] =	wrdreg s5  }
0x22: {  	[dreg:$0x4] =	wrdreg $0xC0  }
0x23: {  	_ =	task [dreg:s7], $0x5FFFF  }
0x24: {  	[dreg:$0x1] =	wrdreg $0xFFFFFFFF  }
0x25: {  	[dreg:$0x0] =	wrdreg $0x60  }
0x26: {  	[dreg:$0x2] =	wrdreg s2  }
0x27: {  	[dreg:$0x3] =	wrdreg s25  }
0x28: {  	[dreg:$0x4] =	wrdreg $0x9  }
0x29: {  	_ =	task.clear_ibuf [dreg:s7], $0x5FFFF;
	_ =	strace $0x90000046  }
0x2a: {  	s29 =	simm.s32 $0x9;
	_ =	strace $0x80000048  }
0x2b: {  	_ =	swait.ge [sflag:s29], $0x1  }
0x2c: {  	[sflag:s29] =	ssyncadd.s32 $0xFFFFFFFF  }
0x2d: {  	_ =	strace $0x90000048  }
0x2e: {  	_ =	sfence  }
0x2f: {  	s30 =	sld [smem:$0x0];
	_ =	sdelay $0x2  }
0x30: {  	s31 =	sshll.u32 s1, $0xD;
	s1 =	sshrl.u32 s1, $0x2  }
0x31: {  	s3 =	sand.u32 $0x4000, s31;
	s1 =	sadd.s32 s1, s30  }
0x32: {  	s0 =	sor.u32 s3, s0;
	s1 =	sshll.u32 s1, $0x11  }
0x33: {  	s0 =	sor.u32 s1, s0  }
0x34: {  	s0 =	sadd.s32 $0x8F2B, s0  }
0x35: {  	[sflag:s0] =	ssyncadd.remote.s32 $0x1  }
0x36: {  	_ =	sfence.sel $0xFFFF  }
0x37: {  	[dreg:$0x0] =	wrdreg $0xFFFFFFFF;
	(pc) =	sbr.abs _section_cstart, $3  }
0x38: {  	[dreg:$0x1] =	wrdreg $0xFFFFFFFF  }
0x39: {  	_ =	task.clear_ibuf [dreg:s7], $0x2FFFF;
	_ =	strace $0x9FFFFFFF  }
0x3a: {  	(tm) =	ssettm $0x7FFFFFFF  }
0x3b: {  	_ =	shalt  }
tec
execute0_lowered:
.L_overlay_start_1:
0x0: {  	(tag) =	ssettag $0x1  }
0x1: {  	s0 =	srdreg.scid  }
0x2: {  	s1 =	sshll.u32 s0, $0x4  }
0x3: {  	s2 =	rddreg [dreg:$0x0];
	s0 =	stileid.u32;
	s1 =	sand.u32 $0x10, s1  }
0x4: {  	s4 =	rddreg [dreg:$0x1];
	s7 =	simm.s32 $0x1;
	s1 =	sor.u32 s0, s1  }
0x5: {  	s8 =	simm.s32 $0x2;
	s9 =	simm.s32 $0x0;
	s3 =	sshll.u32 s1, $0x2  }
0x6: {  	s12 =	simm.s32 $0x0;
	s11 =	simm.s32 $0x0;
	s6 =	ssub.s32 $0x6000, s3  }
.Ltmp0:
0x7: {  	s4 =	sadd.s32 $0xA00, s4;
	s5 =	sand.u32 $0x7C, s6;
	(pc) =	sbr.rel .LBB1_1-.Ltmp0, $4  }
0x8: {  	s1 =	rddreg [dreg:$0x2];
	_ =	strace $0x80000047;
	p0 =	sne.s32 s5, $0x0  }
0x9: {  	s6 =	sshrl.u32 s6, $0x7;
	s5 =	simm.s32 $0x1;
	s7 =	simm.s32 @!p0 $0x0  }
0xa: {  	s10 =	smov.u32 s3;
	[sflag:s5] =	ssyncpa.u1 $0x0;
	s6 =	sadd.s32 s7, s6  }
0xb: {  	[sflag:s8] =	ssyncpa.u1 $0x0;
	s8 =	simm.s32 $0x0;
	s7 =	sadd.s32 $0x1, s6  }
.LBB1_9:
0xc: {  	s14 =	sadd.s32 $0x80, s10  }
0xd: {  	p1 =	sgt.s32 s14, $0x5FFF  }
0xe: {  	s14 =	smov.u32 @p1 s3;
	p1 =	sne.s32 s11, s7  }
.Ltmp1:
0xf: {  	p0 =	slt.u32 s11, $0x2;
	(pc) =	sbr.rel @!p1 .LBB1_10-.Ltmp1, $4  }
0x10: {  	s13 =	simm.s32 @!p0 $0x2  }
0x11: {  	s15 =	sadd.s32 $0x1, s11;
	_ =	swait.ge @!p0 [sflag:s13], $0x4000  }
0x12: {  	s12 =	smov.u32 s10;
	s9 =	sadd.s32 $0x4000, s9;
	[sflag:s13] =	ssyncset.done @!p0 $0x0  }
0x13: {  	s11 =	smov.u32 s15;
	s10 =	smov.u32 s14;
	[sflag:s13] =	ssyncadd.s32 @!p0 $0xFFFFC000  }
.LBB1_1:
0x14: {  	p0 =	sge.u32 s11, s6  }
0x15: {  	s13 =	sxor.u32 @!p0 $0xFFFFFFFF, s11  }
0x16: {  	s31 =	sadd.s32 $0xFFFFFFFF, s11;
	s14 =	sshll.u32 @!p0 s10, $0x9;
	s13 =	sshll.u32 @!p0 s13, $0xE  }
0x17: {  	s15 =	simm.s32 @!p0 $0x0;
	s14 =	sadd.s32 @!p0 s2, s14;
	s13 =	sand.u32 @!p0 $0x4000, s13  }
0x18: {  	[tilespmem:s13], [sflag:$0x1] =	stream.linear.gather @!p0 [hbm4b:s14+s15], $0x4000, $0x38;
	[tilespmem:$0x10000] =	vst v63  }
0x19: {  	p0 =	sge.u32 s31, s6  }
.Ltmp2:
0x1a: {  	_ = 	snop;
	(pc) =	sbr.rel @p0 .LBB1_9-.Ltmp2, $1  }
0x1b: {  	_ =	sdelay $0x3  }
0x1c: {  	s14 =	sand.u32 $0x4000, s9  }
0x1d: {  	_ =	swait.ge [sflag:s5], $0x4000;
	s15 =	sshll.u32 s11, $0xE;
	s16 =	simm.s32 $0x0  }
0x1e: {  	s13 =	sor.u32 $0x40, s14;
	[sflag:s5] =	ssyncset.done $0x0;
	s15 =	sand.u32 $0x4000, s15  }
0x1f: {  	s14 =	sor.u32 $0x8040, s14;
	[sflag:s5] =	ssyncadd.s32 $0xFFFFC000;
	s15 =	sor.u32 $0x8000, s15  }
.LBB1_3:
0x20: {  	s17 =	smov.u32 s14;
	s18 =	smov.u32 s13;
	s19 =	simm.s32 $0x0  }
.LBB1_4:
0x21: {  	v0 =	vmov s17;
	v2 =	vld [tilespmem:s18+$0x30]  }
0x22: {  	v4 =	vld [tilespmem:s18+$0xFFFFFFD0]  }
0x23: {  	v6 =	vld [tilespmem:s18+$0xFFFFFFE0]  }
0x24: {  	v7 =	vld [tilespmem:s18+$0xFFFFFFF0]  }
0x25: {  	s20 =	simm.s32 $0x0;
	v1 =	vld [tilespmem:s18+$0x0]  }
0x26: {  	v3 =	vld [tilespmem:s18+$0x10];
	[tilespmem:v0+s20+$0x30 ss:$0x1] =	vst.idx.msk $0xffff, v2  }
0x27: {  	v5 =	vld [tilespmem:s18+$0x20];
	[tilespmem:v0+s20+$0xFFFFFFD0 ss:$0x1] =	vst.idx.msk $0xffff, v4  }
0x28: {  	s21 =	sadd.s32 $0x80, s18;
	v2 =	vld [tilespmem:s18+$0xFFFFFFC0];
	[tilespmem:v0+s20+$0xFFFFFFE0 ss:$0x1] =	vst.idx.msk $0xffff, v6  }
0x29: {  	s22 =	simm.s32 $0x800;
	s23 =	simm.s32 $0x1000;
	v4 =	vld [tilespmem:s21+$0x30];
	[tilespmem:v0+s20+$0xFFFFFFF0 ss:$0x1] =	vst.idx.msk $0xffff, v7  }
.LBB1_5:
0x2a: {  	p0 =	sne.s32 s23, $0x3800;
	v6 =	vld [tilespmem:s21+$0xFFFFFFD0];
	[tilespmem:v0+s20+$0x0 ss:$0x1] =	vst.idx.msk $0xffff, v1  }
0x2b: {  	v7 =	vld [tilespmem:s21+$0xFFFFFFE0];
	[tilespmem:v0+s20+$0x10 ss:$0x1] =	vst.idx.msk $0xffff, v3  }
0x2c: {  	v8 =	vld [tilespmem:s21+$0xFFFFFFF0];
	[tilespmem:v0+s20+$0x20 ss:$0x1] =	vst.idx.msk $0xffff, v5  }
.Ltmp3:
0x2d: {  	v1 =	vld [tilespmem:s21+$0x0];
	[tilespmem:v0+s20+$0xFFFFFFC0 ss:$0x1] =	vst.idx.msk $0xffff, v2;
	s20 =	sshra.s32 s22, $0x2;
	s22 =	smov.u32 s23;
	(pc) =	sbr.rel @p0 .LBB1_5-.Ltmp3, $4  }
0x2e: {  	v3 =	vld [tilespmem:s21+$0x10];
	[tilespmem:v0+s20+$0x30 ss:$0x1] =	vst.idx.msk $0xffff, v4  }
0x2f: {  	[tilespmem:v0+s20+$0xFFFFFFD0 ss:$0x1] =	vst.idx.msk $0xffff, v6;
	v5 =	vld [tilespmem:s21+$0x20]  }
0x30: {  	v2 =	vld [tilespmem:s21+$0xFFFFFFC0];
	[tilespmem:v0+s20+$0xFFFFFFE0 ss:$0x1] =	vst.idx.msk $0xffff, v7;
	s21 =	sadd.s32 $0x80, s21  }
0x31: {  	s23 =	sadd.s32 $0x800, s23;
	v4 =	vld [tilespmem:s21+$0x30];
	[tilespmem:v0+s20+$0xFFFFFFF0 ss:$0x1] =	vst.idx.msk $0xffff, v8  }
0x32: {  	_ =	sdelay $0x3  }
0x33: {  	v6 =	vld [tilespmem:s21+$0xFFFFFFD0];
	[tilespmem:v0+s20+$0x0 ss:$0x1] =	vst.idx.msk $0xffff, v1  }
0x34: {  	v58 =	vld [tilespmem:s21+$0xFFFFFFE0];
	[tilespmem:v0+s20+$0x10 ss:$0x1] =	vst.idx.msk $0xffff, v3  }
0x35: {  	v59 =	vld [tilespmem:s21+$0xFFFFFFF0];
	[tilespmem:v0+s20+$0x20 ss:$0x1] =	vst.idx.msk $0xffff, v5  }
0x36: {  	s22 =	sshra.s32 s22, $0x2;
	v60 =	vld [tilespmem:s21+$0x0];
	[tilespmem:v0+s20+$0xFFFFFFC0 ss:$0x1] =	vst.idx.msk $0xffff, v2  }
0x37: {  	v61 =	vld [tilespmem:s21+$0x10];
	[tilespmem:v0+s22+$0x30 ss:$0x1] =	vst.idx.msk $0xffff, v4  }
0x38: {  	v62 =	vld [tilespmem:s21+$0x20];
	s19 =	sadd.s32 $0x1, s19;
	[tilespmem:v0+s22+$0xFFFFFFD0 ss:$0x1] =	vst.idx.msk $0xffff, v6  }
0x39: {  	v63 =	vld [tilespmem:s21+$0xFFFFFFC0];
	p0 =	sne.s32 s19, $0x4;
	[tilespmem:v0+s22+$0xFFFFFFE0 ss:$0x1] =	vst.idx.msk $0xffff, v58  }
.Ltmp4:
0x3a: {  	[tilespmem:v0+s22+$0xFFFFFFF0 ss:$0x1] =	vst.idx.msk $0xffff, v59;
	(pc) =	sbr.rel @p0 .LBB1_4-.Ltmp4, $4  }
0x3b: {  	[tilespmem:v0+s22+$0x0 ss:$0x1] =	vst.idx.msk $0xffff, v60  }
0x3c: {  	[tilespmem:v0+s22+$0x10 ss:$0x1] =	vst.idx.msk $0xffff, v61  }
0x3d: {  	[tilespmem:v0+s22+$0x20 ss:$0x1] =	vst.idx.msk $0xffff, v62  }
0x3e: {  	s18 =	sadd.s32 $0x400, s18;
	s17 =	sadd.s32 $0x80, s17;
	[tilespmem:v0+s22+$0xFFFFFFC0 ss:$0x1] =	vst.idx.msk $0xffff, v63  }
0x3f: {  	s16 =	sadd.s32 $0x1, s16  }
0x40: {  	p0 =	sne.s32 s16, $0x4  }
.Ltmp5:
0x41: {  	_ = 	snop;
	(pc) =	sbr.rel @p0 .LBB1_3-.Ltmp5, $2  }
0x42: {  	_ =	sdelay $0x2  }
0x43: {  	s13 =	sadd.s32 $0x1000, s13;
	s14 =	sadd.s32 $0x1000, s14  }
.Ltmp6:
0x44: {  	(pc) =	sbr.rel .LBB1_9-.Ltmp6, $4  }
0x45: {  	_ = 	snop  }
0x46: {  	s12 =	sshll.u32 s12, $0x9  }
0x47: {  	s12 =	sadd.s32 s4, s12  }
0x48: {  	[hbm4b:s12+s8] =	stream.linear.scatter [tilespmem:s15], [sflag:$0x2], $0x4000, $0x38;
	[tilespmem:$0x10000] =	vst v63  }
.LBB1_10:
0x49: {  	_ =	sfence.sel $0x180000  }
0x4a: {  	s2 =	simm.s32 $0x1;
	[bflag:$0x0] =	sbarrier.arrive $0xFFFF  }
0x4b: {  	s31 =	simm.s32 $0x2;
	[sflag:s2] =	ssyncpa.u1 $0x1  }
0x4c: {  	[sflag:s31] =	ssyncpa.u1 $0x1  }
0x4d: {  	p0 =	sne.s32 s0, $0x0;
	_ =	strace $0x90000047  }
0x4e: {  	s0 =	sadd.s32 @!p0 $0x100000, s1;
	[bflag:$0x2] =	sbarrier.arrive $0xFFFF  }
0x4f: {  	[sflag:s0] =	ssyncadd.tile.s32 @!p0 $0x1;
	_ =	shalt  }
.Lfunc_end1:
_tile_overlayer_lowered:
.L_overlay_start_2:
0x50: {  	(tag) =	ssettag $0x2  }
0x51: {  	s0 =	rddreg [dreg:$0x0];
	s2 =	stileid.u32  }
0x52: {  	s1 =	rddreg [dreg:$0x1];
	p0 =	sne.s32 s2, $0x0  }
0x53: {  	s3 =	rddreg [dreg:$0x2];
	[bflag:$0x3] =	sbarrier.arrive $0xFFFF;
	s2 =	simm.s32 @!p0 $0x1C01  }
0x54: {  	[timem:s3], [sflag:s2] =	dma.local @!p0 [hbm:s0], s1  }
0x55: {  	s0 =	simm.s32 @!p0 $0x1  }
0x56: {  	_ =	swait.ge @!p0 [sflag:s0], s1  }
0x57: {  	s1 =	ssub.s32 @!p0 $0x0, s1;
	[sflag:s0] =	ssyncset.done @!p0 $0x0  }
0x58: {  	[sflag:s0] =	ssyncadd.s32 @!p0 s1  }
0x59: {  	[bflag:$0x3] =	sbarrier.arrive $0xFFFF  }
0x5a: {  	_ =	shalt  }

</sc_bundles>
